<compile_context>
chip_gen: v7x
topology: tpu7x:2x2x1
jax: 0.10.2.dev20260603
libtpu: 0.0.44.dev20260713+nightly
codegen_flags: <defaults>
</compile_context>

<pallas_src>
import functools

import jax
import jax.numpy as jnp
import numpy as np
from jax import lax
from jax.experimental import pallas as pl
from jax.experimental.pallas import tpu as pltpu
from jax.experimental.pallas import tpu_sc as plsc

B, H, S = 16, 64, 4096
KV_LORA, ROPE = 512, 64
HEAD_DIM = KV_LORA + ROPE
TOPK = 2048
SCALE = 1.0 / np.sqrt(128 + 64)
NEG = -1e30
INT_MIN = np.int32(-2147483648)

ST = 1024
NT = S // ST


def _clamp(b, j, pos):
    return jnp.minimum(j, pos[b] // ST)


def _idx_scores_body(pos_ref, q_ref, kv_ref, sc_ref, idx_ref):
    b = pl.program_id(0)
    j = pl.program_id(1)
    valid = j * ST <= pos_ref[b]

    @pl.when(valid)
    def _():
        kv_t = kv_ref[0]
        s = jax.lax.dot_general(q_ref[0], kv_t, (((1,), (1,)), ((), ())),
                                preferred_element_type=jnp.float32)
        s = s * SCALE
        ids = jax.lax.broadcasted_iota(jnp.int32, (1, ST), 1) + j * ST
        s = jnp.where(ids <= pos_ref[b], s, NEG)
        sc_ref[0] = s.astype(jnp.bfloat16)
        idx_ref[0] = jnp.mean(s, axis=0, keepdims=True)

    @pl.when(jnp.logical_not(valid))
    def _():
        idx_ref[0] = jnp.full((1, ST), NEG, jnp.float32)


def _idx_scores(q, kv, positions):
    return pl.pallas_call(
        _idx_scores_body,
        grid_spec=pltpu.PrefetchScalarGridSpec(
            num_scalar_prefetch=1,
            grid=(B, NT),
            in_specs=[
                pl.BlockSpec((1, H, HEAD_DIM), lambda b, j, pos: (b, 0, 0)),
                pl.BlockSpec((1, ST, HEAD_DIM),
                             lambda b, j, pos: (b, _clamp(b, j, pos), 0)),
            ],
            out_specs=[
                pl.BlockSpec((1, H, ST),
                             lambda b, j, pos: (b, 0, _clamp(b, j, pos))),
                pl.BlockSpec((1, 1, ST), lambda b, j, pos: (b, 0, j)),
            ],
        ),
        out_shape=[
            jax.ShapeDtypeStruct((B, H, S), jnp.bfloat16),
            jax.ShapeDtypeStruct((B, 1, S), jnp.float32),
        ],
    )(positions, q, kv)


_NVEC = S // 16


def _sc_threshold_body(idx_hbm, out_hbm, val_v, key_v, res_v):
    wid = lax.axis_index("s") * 2 + lax.axis_index("c")

    @pl.when(wid < B)
    def _():
        pltpu.sync_copy(idx_hbm.at[wid], val_v)

        def conv(i, carry):
            for u in range(8):
                sl = pl.ds((i * 8 + u) * 16, 16)
                bb = val_v[sl]
                key_v[sl] = jnp.where(
                    bb < 0, jnp.bitwise_xor(jnp.bitwise_not(bb), INT_MIN), bb)
            return carry
        lax.fori_loop(0, _NVEC // 8, conv, jnp.int32(0))

        def count_ge(t):
            def cstep(i, acc):
                for u in range(8):
                    kk = key_v[pl.ds((i * 8 + u) * 16, 16)]
                    acc = acc + jnp.where(kk >= t, 1, 0).astype(jnp.int32)
                return acc
            acc = lax.fori_loop(0, _NVEC // 8, cstep,
                                jnp.zeros((16,), jnp.int32))
            total = jnp.int32(0)
            for lane in range(16):
                total = total + acc[lane]
            return total

        p0 = jnp.where(count_ge(jnp.int32(0)) >= TOPK,
                       jnp.int32(0), jnp.int32(INT_MIN))

        def bstep(jj, p):
            bit = jnp.int32(30) - jj
            t = jnp.bitwise_or(p, jnp.left_shift(jnp.int32(1), bit))
            return jnp.where(count_ge(t) >= TOPK, t, p)
        p = lax.fori_loop(0, 31, bstep, p0)

        fb = jnp.where(p >= 0, p,
                       jnp.bitwise_not(jnp.bitwise_xor(p, INT_MIN)))
        res_v[...] = jnp.full((16,), fb, jnp.int32)
        pltpu.sync_copy(res_v, out_hbm.at[wid])


def _thresholds(idx_scores):
    mesh = plsc.VectorSubcoreMesh(core_axis_name="c", subcore_axis_name="s")
    fn = functools.partial(
        pl.kernel,
        out_type=jax.ShapeDtypeStruct((B, 16), jnp.int32),
        mesh=mesh,
        scratch_types=[
            pltpu.VMEM((S,), jnp.int32),
            pltpu.VMEM((S,), jnp.int32),
            pltpu.VMEM((16,), jnp.int32),
        ],
    )(_sc_threshold_body)
    bits = jax.lax.bitcast_convert_type(idx_scores.reshape(B, S), jnp.int32)
    th = jax.lax.bitcast_convert_type(fn(bits)[:, 0], jnp.float32)
    return jnp.maximum(th, -1e28)


def _flash_body(pos_ref, th_ref, sc_ref, kv_ref, idx_ref, sink_ref, out_ref,
                m_ref, l_ref, acc_ref):
    b = pl.program_id(0)
    j = pl.program_id(1)

    @pl.when(j == 0)
    def _init():
        m_ref[...] = sink_ref[0][:, None]
        l_ref[...] = jnp.ones((H, 1), jnp.float32)
        acc_ref[...] = jnp.zeros((H, KV_LORA), jnp.float32)

    @pl.when(j * ST <= pos_ref[b])
    def _():
        s = sc_ref[0].astype(jnp.float32)
        sel = idx_ref[0] >= th_ref[b]
        s = jnp.where(sel, s, NEG)

        m_old = m_ref[...]
        m_new = jnp.maximum(m_old, jnp.max(s, axis=1, keepdims=True))
        alpha = jnp.exp(m_old - m_new)
        pr = jnp.exp(s - m_new)
        l_ref[...] = l_ref[...] * alpha + jnp.sum(pr, axis=1, keepdims=True)
        ckv = kv_ref[0][:, :KV_LORA].astype(jnp.bfloat16)
        pv = jax.lax.dot_general(pr.astype(jnp.bfloat16), ckv,
                                 (((1,), (0,)), ((), ())),
                                 preferred_element_type=jnp.float32)
        acc_ref[...] = acc_ref[...] * alpha + pv
        m_ref[...] = m_new

    @pl.when(j == NT - 1)
    def _fin():
        out_ref[0] = acc_ref[...] / l_ref[...]


def _flash(scores, kv, idx_scores, thresholds, attn_sink, positions):
    return pl.pallas_call(
        _flash_body,
        grid_spec=pltpu.PrefetchScalarGridSpec(
            num_scalar_prefetch=1,
            grid=(B, NT),
            in_specs=[
                pl.BlockSpec(memory_space=pltpu.SMEM),
                pl.BlockSpec((1, H, ST),
                             lambda b, j, pos: (b, 0, _clamp(b, j, pos))),
                pl.BlockSpec((1, ST, HEAD_DIM),
                             lambda b, j, pos: (b, _clamp(b, j, pos), 0)),
                pl.BlockSpec((1, 1, ST), lambda b, j, pos: (b, 0, j)),
                pl.BlockSpec((1, H), lambda b, j, pos: (0, 0)),
            ],
            out_specs=pl.BlockSpec((1, H, KV_LORA),
                                   lambda b, j, pos: (b, 0, 0)),
            scratch_shapes=[
                pltpu.VMEM((H, 1), jnp.float32),
                pltpu.VMEM((H, 1), jnp.float32),
                pltpu.VMEM((H, KV_LORA), jnp.float32),
            ],
        ),
        out_shape=jax.ShapeDtypeStruct((B, H, KV_LORA), jnp.float32),
    )(positions, thresholds, scores, kv, idx_scores, attn_sink.reshape(1, H))


def kernel(q, kv, positions, attn_sink):
    scores, idx_scores = _idx_scores(q, kv, positions)
    th = _thresholds(idx_scores)
    return _flash(scores, kv, idx_scores, th, attn_sink, positions)

# --- scband reference (transcript-rebuilt; emitter-appended) ---
"""Pipeline reference for scband-deepseek-v4-mlaattention-58566174048947 (READ-ONLY COPY).

The authoritative reference and input builder live on the scoring server;
editing this copy changes nothing except your own understanding.
"""

import jax, jax.numpy as jnp
import numpy as np

B, H, S = 16, 64, 4096
KV_LORA, ROPE = 512, 64
HEAD_DIM = KV_LORA + ROPE
TOPK = 2048
SCALE = 1.0 / np.sqrt(128 + 64)
NEG = -1e30


def setup_inputs(seed: int = 0) -> dict:
    key = jax.random.key(seed)
    k1, k2, k3, k4 = jax.random.split(key, 4)
    q = jax.random.normal(k1, (B, H, HEAD_DIM), dtype=jnp.float32) * 0.05
    kv = jax.random.normal(k2, (B, S, HEAD_DIM), dtype=jnp.float32) * 0.05
    positions = jax.random.randint(k3, (B,), 0, S, dtype=jnp.int32)
    attn_sink = jax.random.normal(k4, (H,), dtype=jnp.float32) * 0.05
    return {"q": q, "kv": kv, "positions": positions, "attn_sink": attn_sink}


def reference(q, kv, positions, attn_sink):
    # MLA absorbed decode attention with sparse top-k kv selection (DeepseekV4 style).
    # q: [B, H, 576] = [.., kv_lora(512) | rope(64)]; kv cache: [B, S, 576]
    q_nope = q[..., :KV_LORA]
    q_rope = q[..., KV_LORA:]
    c_kv = kv[..., :KV_LORA]
    k_rope = kv[..., KV_LORA:]
    scores = (jnp.einsum('bhd,bsd->bhs', q_nope, c_kv)
              + jnp.einsum('bhr,bsr->bhs', q_rope, k_rope)) * SCALE
    # cache-length validity mask from positions (decode token position == cache seqlen-1)
    seq_mask = jnp.arange(S)[None, :] <= positions[:, None]  # [B, S]
    scores = jnp.where(seq_mask[:, None, :], scores, NEG)
    # indexer: top-k global indices via head-pooled importance scores
    idx_scores = jax.lax.stop_gradient(scores.mean(axis=1))  # [B, S]
    _, topk_idx = jax.lax.top_k(idx_scores, TOPK)  # [B, TOPK]
    sel_mask = jnp.zeros((B, S), dtype=bool).at[jnp.arange(B)[:, None], topk_idx].set(True)
    masked = jnp.where(sel_mask[:, None, :], scores, NEG)  # [B, H, S]
    # attention sink logit appended per head
    sink = jnp.broadcast_to(attn_sink[None, :, None], (B, H, 1))
    logits = jnp.concatenate([masked, sink], axis=-1)  # [B, H, S+1]
    probs = jax.nn.softmax(logits, axis=-1)
    attn = probs[..., :S]
    out = jnp.einsum('bhs,bsd->bhd', attn, c_kv)  # [B, H, 512] latent output (head_dim_v=512)
    return out

if __name__ == "__main__":
    import jax
    _d = setup_inputs()
    print(jax.jit(kernel)(*tuple(_d.values())))

</pallas_src>

<mosaic_0001>
#map = affine_map<(d0, d1) -> (0, 0)>
module attributes {stable_mosaic.version = 14 : i64} {
  func.func @_sc_threshold_body(%arg0: i32, %arg1: i32, %arg2: memref<16x4096xi32, #tpu.memory_space<hbm>>, %arg3: memref<16x16xi32, #tpu.memory_space<hbm>>, %arg4: memref<4096xi32, #tpu.memory_space<vmem>>, %arg5: memref<4096xi32, #tpu.memory_space<vmem>>, %arg6: memref<16xi32, #tpu.memory_space<vmem>>) attributes {dimension_semantics = [#tpu.dimension_semantics<core_parallel>, #tpu.dimension_semantics<subcore_parallel>], iteration_bounds = array<i64: 2, 16>, scalar_prefetch = 0 : i64, scratch_operands = 3 : i64, tpu.core_type = #tpu.core_type<sc_vector_subcore>, window_params = [{transform_indices = #map}, {transform_indices = #map}]} {
    %mul3A = arith.constant 2 : i32
    %mul3A_0 = arith.muli %arg1, %mul3A : i32
    %add3A = arith.addi %mul3A_0, %arg0 : i32
    %lt3A = arith.constant 16 : i32
    %lt3A_1 = arith.cmpi slt, %add3A, %lt3A : i32
    %convert_element_type3A = arith.extui %lt3A_1 : i1 to i32
    %cond3A = arith.constant 0 : i32
    %cond3A_2 = arith.cmpi ne, %convert_element_type3A, %cond3A : i32
    scf.if %cond3A_2 {
      "tpu.region"() ({
        %run_scoped3A = tpu.sem_alloc : memref<!tpu.dma_semaphore, #tpu.memory_space<semaphore_mem>>
        %dma_start3A = arith.constant 0 : i32
        %dma_start3A_80 = tpu.memref_slice %arg2[%add3A, %dma_start3A] : memref<16x4096xi32, #tpu.memory_space<hbm>> -> memref<1x4096xi32, #tpu.memory_space<hbm>>
        %dma_start3A_81 = tpu.memref_squeeze %dma_start3A_80 : memref<1x4096xi32, #tpu.memory_space<hbm>> -> memref<4096xi32, #tpu.memory_space<hbm>>
        %dma_start3A_82 = arith.constant 0 : i32
        %dma_start3A_83 = tpu.memref_slice %arg2[%add3A, %dma_start3A_82] : memref<16x4096xi32, #tpu.memory_space<hbm>> -> memref<1x4096xi32, #tpu.memory_space<hbm>>
        %dma_start3A_84 = tpu.memref_squeeze %dma_start3A_83 : memref<1x4096xi32, #tpu.memory_space<hbm>> -> memref<4096xi32, #tpu.memory_space<hbm>>
        tpu.enqueue_dma source(%dma_start3A_84 : memref<4096xi32, #tpu.memory_space<hbm>>) target(%arg4 : memref<4096xi32, #tpu.memory_space<vmem>>) target_semaphore(%run_scoped3A : memref<!tpu.dma_semaphore, #tpu.memory_space<semaphore_mem>>)
        %dma_wait3A = arith.constant 0 : i32
        %dma_wait3A_85 = tpu.memref_slice %arg2[%add3A, %dma_wait3A] : memref<16x4096xi32, #tpu.memory_space<hbm>> -> memref<1x4096xi32, #tpu.memory_space<hbm>>
        %dma_wait3A_86 = tpu.memref_squeeze %dma_wait3A_85 : memref<1x4096xi32, #tpu.memory_space<hbm>> -> memref<4096xi32, #tpu.memory_space<hbm>>
        %dma_wait3A_87 = arith.constant 0 : i32
        %dma_wait3A_88 = tpu.memref_slice %arg2[%add3A, %dma_wait3A_87] : memref<16x4096xi32, #tpu.memory_space<hbm>> -> memref<1x4096xi32, #tpu.memory_space<hbm>>
        %dma_wait3A_89 = tpu.memref_squeeze %dma_wait3A_88 : memref<1x4096xi32, #tpu.memory_space<hbm>> -> memref<4096xi32, #tpu.memory_space<hbm>>
        tpu.wait_dma2 semaphore(%run_scoped3A : memref<!tpu.dma_semaphore, #tpu.memory_space<semaphore_mem>>) src(%dma_wait3A_89 : memref<4096xi32, #tpu.memory_space<hbm>>) dst(%arg4 : memref<4096xi32, #tpu.memory_space<vmem>>)
        tpu.yield
      }) : () -> ()
      %scan3A = arith.constant 0 : i32
      %scan3A_3 = arith.constant 0 : i32
      %scan3A_4 = arith.constant 32 : i32
      %scan3A_5 = arith.addi %scan3A_3, %scan3A_4 : i32
      %scan3A_6 = arith.constant 1 : i32
      scf.for %scan3A_80 = %scan3A_3 to %scan3A_5 step %scan3A_6  : i32 {
        %mul3A_81 = arith.constant 8 : i32
        %mul3A_82 = arith.muli %scan3A_80, %mul3A_81 : i32
        %add3A_83 = arith.constant 0 : i32
        %add3A_84 = arith.addi %mul3A_82, %add3A_83 : i32
        %mul3A_85 = arith.constant 16 : i32
        %mul3A_86 = arith.muli %add3A_84, %mul3A_85 : i32
        %get3A = arith.index_cast %mul3A_86 : i32 to index
        %get3A_87 = tpu.vector_load %arg4[%get3A] {strides = array<i32>} : memref<4096xi32, #tpu.memory_space<vmem>>, vector<16xi32>,
        %get3A_88 = vector.shape_cast %get3A_87 : vector<16xi32> to vector<16xi32>
        %lt3A_89 = arith.constant 0 : i32
        %lt3A_90 = vector.broadcast %lt3A_89 : i32 to vector<16xi32>
        %lt3A_91 = arith.cmpi slt, %get3A_88, %lt3A_90 : vector<16xi32>
        %not3A_92 = arith.constant dense<-1> : vector<16xi32>
        %not3A_93 = arith.xori %get3A_88, %not3A_92 : vector<16xi32>
        %xor3A_94 = arith.constant -2147483648 : i32
        %xor3A_95 = vector.broadcast %xor3A_94 : i32 to vector<16xi32>
        %xor3A_96 = arith.xori %not3A_93, %xor3A_95 : vector<16xi32>
        %select_n3A_97 = arith.select %lt3A_91, %xor3A_96, %get3A_88 : vector<16xi1>, vector<16xi32>
        %swap3A_98 = arith.index_cast %mul3A_86 : i32 to index
        %swap3A_99 = tpu.vector_load %arg5[%swap3A_98] {strides = array<i32>} : memref<4096xi32, #tpu.memory_space<vmem>>, vector<16xi32>,
        %swap3A_100 = vector.shape_cast %swap3A_99 : vector<16xi32> to vector<16xi32>
        %swap3A_101 = vector.shape_cast %select_n3A_97 : vector<16xi32> to vector<16xi32>
        tpu.vector_store %arg5[%swap3A_98], %swap3A_101 {strides = array<i32>} : memref<4096xi32, #tpu.memory_space<vmem>>, vector<16xi32>,
        %mul3A_102 = arith.constant 8 : i32
        %mul3A_103 = arith.muli %scan3A_80, %mul3A_102 : i32
        %add3A_104 = arith.constant 1 : i32
        %add3A_105 = arith.addi %mul3A_103, %add3A_104 : i32
        %mul3A_106 = arith.constant 16 : i32
        %mul3A_107 = arith.muli %add3A_105, %mul3A_106 : i32
        %get3A_108 = arith.index_cast %mul3A_107 : i32 to index
        %get3A_109 = tpu.vector_load %arg4[%get3A_108] {strides = array<i32>} : memref<4096xi32, #tpu.memory_space<vmem>>, vector<16xi32>,
        %get3A_110 = vector.shape_cast %get3A_109 : vector<16xi32> to vector<16xi32>
        %lt3A_111 = arith.constant 0 : i32
        %lt3A_112 = vector.broadcast %lt3A_111 : i32 to vector<16xi32>
        %lt3A_113 = arith.cmpi slt, %get3A_110, %lt3A_112 : vector<16xi32>
        %not3A_114 = arith.constant dense<-1> : vector<16xi32>
        %not3A_115 = arith.xori %get3A_110, %not3A_114 : vector<16xi32>
        %xor3A_116 = arith.constant -2147483648 : i32
        %xor3A_117 = vector.broadcast %xor3A_116 : i32 to vector<16xi32>
        %xor3A_118 = arith.xori %not3A_115, %xor3A_117 : vector<16xi32>
        %select_n3A_119 = arith.select %lt3A_113, %xor3A_118, %get3A_110 : vector<16xi1>, vector<16xi32>
        %swap3A_120 = arith.index_cast %mul3A_107 : i32 to index
        %swap3A_121 = tpu.vector_load %arg5[%swap3A_120] {strides = array<i32>} : memref<4096xi32, #tpu.memory_space<vmem>>, vector<16xi32>,
        %swap3A_122 = vector.shape_cast %swap3A_121 : vector<16xi32> to vector<16xi32>
        %swap3A_123 = vector.shape_cast %select_n3A_119 : vector<16xi32> to vector<16xi32>
        tpu.vector_store %arg5[%swap3A_120], %swap3A_123 {strides = array<i32>} : memref<4096xi32, #tpu.memory_space<vmem>>, vector<16xi32>,
        %mul3A_124 = arith.constant 8 : i32
        %mul3A_125 = arith.muli %scan3A_80, %mul3A_124 : i32
        %add3A_126 = arith.constant 2 : i32
        %add3A_127 = arith.addi %mul3A_125, %add3A_126 : i32
        %mul3A_128 = arith.constant 16 : i32
        %mul3A_129 = arith.muli %add3A_127, %mul3A_128 : i32
        %get3A_130 = arith.index_cast %mul3A_129 : i32 to index
        %get3A_131 = tpu.vector_load %arg4[%get3A_130] {strides = array<i32>} : memref<4096xi32, #tpu.memory_space<vmem>>, vector<16xi32>,
        %get3A_132 = vector.shape_cast %get3A_131 : vector<16xi32> to vector<16xi32>
        %lt3A_133 = arith.constant 0 : i32
        %lt3A_134 = vector.broadcast %lt3A_133 : i32 to vector<16xi32>
        %lt3A_135 = arith.cmpi slt, %get3A_132, %lt3A_134 : vector<16xi32>
        %not3A_136 = arith.constant dense<-1> : vector<16xi32>
        %not3A_137 = arith.xori %get3A_132, %not3A_136 : vector<16xi32>
        %xor3A_138 = arith.constant -2147483648 : i32
        %xor3A_139 = vector.broadcast %xor3A_138 : i32 to vector<16xi32>
        %xor3A_140 = arith.xori %not3A_137, %xor3A_139 : vector<16xi32>
        %select_n3A_141 = arith.select %lt3A_135, %xor3A_140, %get3A_132 : vector<16xi1>, vector<16xi32>
        %swap3A_142 = arith.index_cast %mul3A_129 : i32 to index
        %swap3A_143 = tpu.vector_load %arg5[%swap3A_142] {strides = array<i32>} : memref<4096xi32, #tpu.memory_space<vmem>>, vector<16xi32>,
        %swap3A_144 = vector.shape_cast %swap3A_143 : vector<16xi32> to vector<16xi32>
        %swap3A_145 = vector.shape_cast %select_n3A_141 : vector<16xi32> to vector<16xi32>
        tpu.vector_store %arg5[%swap3A_142], %swap3A_145 {strides = array<i32>} : memref<4096xi32, #tpu.memory_space<vmem>>, vector<16xi32>,
        %mul3A_146 = arith.constant 8 : i32
        %mul3A_147 = arith.muli %scan3A_80, %mul3A_146 : i32
        %add3A_148 = arith.constant 3 : i32
        %add3A_149 = arith.addi %mul3A_147, %add3A_148 : i32
        %mul3A_150 = arith.constant 16 : i32
        %mul3A_151 = arith.muli %add3A_149, %mul3A_150 : i32
        %get3A_152 = arith.index_cast %mul3A_151 : i32 to index
        %get3A_153 = tpu.vector_load %arg4[%get3A_152] {strides = array<i32>} : memref<4096xi32, #tpu.memory_space<vmem>>, vector<16xi32>,
        %get3A_154 = vector.shape_cast %get3A_153 : vector<16xi32> to vector<16xi32>
        %lt3A_155 = arith.constant 0 : i32
        %lt3A_156 = vector.broadcast %lt3A_155 : i32 to vector<16xi32>
        %lt3A_157 = arith.cmpi slt, %get3A_154, %lt3A_156 : vector<16xi32>
        %not3A_158 = arith.constant dense<-1> : vector<16xi32>
        %not3A_159 = arith.xori %get3A_154, %not3A_158 : vector<16xi32>
        %xor3A_160 = arith.constant -2147483648 : i32
        %xor3A_161 = vector.broadcast %xor3A_160 : i32 to vector<16xi32>
        %xor3A_162 = arith.xori %not3A_159, %xor3A_161 : vector<16xi32>
        %select_n3A_163 = arith.select %lt3A_157, %xor3A_162, %get3A_154 : vector<16xi1>, vector<16xi32>
        %swap3A_164 = arith.index_cast %mul3A_151 : i32 to index
        %swap3A_165 = tpu.vector_load %arg5[%swap3A_164] {strides = array<i32>} : memref<4096xi32, #tpu.memory_space<vmem>>, vector<16xi32>,
        %swap3A_166 = vector.shape_cast %swap3A_165 : vector<16xi32> to vector<16xi32>
        %swap3A_167 = vector.shape_cast %select_n3A_163 : vector<16xi32> to vector<16xi32>
        tpu.vector_store %arg5[%swap3A_164], %swap3A_167 {strides = array<i32>} : memref<4096xi32, #tpu.memory_space<vmem>>, vector<16xi32>,
        %mul3A_168 = arith.constant 8 : i32
        %mul3A_169 = arith.muli %scan3A_80, %mul3A_168 : i32
        %add3A_170 = arith.constant 4 : i32
        %add3A_171 = arith.addi %mul3A_169, %add3A_170 : i32
        %mul3A_172 = arith.constant 16 : i32
        %mul3A_173 = arith.muli %add3A_171, %mul3A_172 : i32
        %get3A_174 = arith.index_cast %mul3A_173 : i32 to index
        %get3A_175 = tpu.vector_load %arg4[%get3A_174] {strides = array<i32>} : memref<4096xi32, #tpu.memory_space<vmem>>, vector<16xi32>,
        %get3A_176 = vector.shape_cast %get3A_175 : vector<16xi32> to vector<16xi32>
        %lt3A_177 = arith.constant 0 : i32
        %lt3A_178 = vector.broadcast %lt3A_177 : i32 to vector<16xi32>
        %lt3A_179 = arith.cmpi slt, %get3A_176, %lt3A_178 : vector<16xi32>
        %not3A_180 = arith.constant dense<-1> : vector<16xi32>
        %not3A_181 = arith.xori %get3A_176, %not3A_180 : vector<16xi32>
        %xor3A_182 = arith.constant -2147483648 : i32
        %xor3A_183 = vector.broadcast %xor3A_182 : i32 to vector<16xi32>
        %xor3A_184 = arith.xori %not3A_181, %xor3A_183 : vector<16xi32>
        %select_n3A_185 = arith.select %lt3A_179, %xor3A_184, %get3A_176 : vector<16xi1>, vector<16xi32>
        %swap3A_186 = arith.index_cast %mul3A_173 : i32 to index
        %swap3A_187 = tpu.vector_load %arg5[%swap3A_186] {strides = array<i32>} : memref<4096xi32, #tpu.memory_space<vmem>>, vector<16xi32>,
        %swap3A_188 = vector.shape_cast %swap3A_187 : vector<16xi32> to vector<16xi32>
        %swap3A_189 = vector.shape_cast %select_n3A_185 : vector<16xi32> to vector<16xi32>
        tpu.vector_store %arg5[%swap3A_186], %swap3A_189 {strides = array<i32>} : memref<4096xi32, #tpu.memory_space<vmem>>, vector<16xi32>,
        %mul3A_190 = arith.constant 8 : i32
        %mul3A_191 = arith.muli %scan3A_80, %mul3A_190 : i32
        %add3A_192 = arith.constant 5 : i32
        %add3A_193 = arith.addi %mul3A_191, %add3A_192 : i32
        %mul3A_194 = arith.constant 16 : i32
        %mul3A_195 = arith.muli %add3A_193, %mul3A_194 : i32
        %get3A_196 = arith.index_cast %mul3A_195 : i32 to index
        %get3A_197 = tpu.vector_load %arg4[%get3A_196] {strides = array<i32>} : memref<4096xi32, #tpu.memory_space<vmem>>, vector<16xi32>,
        %get3A_198 = vector.shape_cast %get3A_197 : vector<16xi32> to vector<16xi32>
        %lt3A_199 = arith.constant 0 : i32
        %lt3A_200 = vector.broadcast %lt3A_199 : i32 to vector<16xi32>
        %lt3A_201 = arith.cmpi slt, %get3A_198, %lt3A_200 : vector<16xi32>
        %not3A_202 = arith.constant dense<-1> : vector<16xi32>
        %not3A_203 = arith.xori %get3A_198, %not3A_202 : vector<16xi32>
        %xor3A_204 = arith.constant -2147483648 : i32
        %xor3A_205 = vector.broadcast %xor3A_204 : i32 to vector<16xi32>
        %xor3A_206 = arith.xori %not3A_203, %xor3A_205 : vector<16xi32>
        %select_n3A_207 = arith.select %lt3A_201, %xor3A_206, %get3A_198 : vector<16xi1>, vector<16xi32>
        %swap3A_208 = arith.index_cast %mul3A_195 : i32 to index
        %swap3A_209 = tpu.vector_load %arg5[%swap3A_208] {strides = array<i32>} : memref<4096xi32, #tpu.memory_space<vmem>>, vector<16xi32>,
        %swap3A_210 = vector.shape_cast %swap3A_209 : vector<16xi32> to vector<16xi32>
        %swap3A_211 = vector.shape_cast %select_n3A_207 : vector<16xi32> to vector<16xi32>
        tpu.vector_store %arg5[%swap3A_208], %swap3A_211 {strides = array<i32>} : memref<4096xi32, #tpu.memory_space<vmem>>, vector<16xi32>,
        %mul3A_212 = arith.constant 8 : i32
        %mul3A_213 = arith.muli %scan3A_80, %mul3A_212 : i32
        %add3A_214 = arith.constant 6 : i32
        %add3A_215 = arith.addi %mul3A_213, %add3A_214 : i32
        %mul3A_216 = arith.constant 16 : i32
        %mul3A_217 = arith.muli %add3A_215, %mul3A_216 : i32
        %get3A_218 = arith.index_cast %mul3A_217 : i32 to index
        %get3A_219 = tpu.vector_load %arg4[%get3A_218] {strides = array<i32>} : memref<4096xi32, #tpu.memory_space<vmem>>, vector<16xi32>,
        %get3A_220 = vector.shape_cast %get3A_219 : vector<16xi32> to vector<16xi32>
        %lt3A_221 = arith.constant 0 : i32
        %lt3A_222 = vector.broadcast %lt3A_221 : i32 to vector<16xi32>
        %lt3A_223 = arith.cmpi slt, %get3A_220, %lt3A_222 : vector<16xi32>
        %not3A_224 = arith.constant dense<-1> : vector<16xi32>
        %not3A_225 = arith.xori %get3A_220, %not3A_224 : vector<16xi32>
        %xor3A_226 = arith.constant -2147483648 : i32
        %xor3A_227 = vector.broadcast %xor3A_226 : i32 to vector<16xi32>
        %xor3A_228 = arith.xori %not3A_225, %xor3A_227 : vector<16xi32>
        %select_n3A_229 = arith.select %lt3A_223, %xor3A_228, %get3A_220 : vector<16xi1>, vector<16xi32>
        %swap3A_230 = arith.index_cast %mul3A_217 : i32 to index
        %swap3A_231 = tpu.vector_load %arg5[%swap3A_230] {strides = array<i32>} : memref<4096xi32, #tpu.memory_space<vmem>>, vector<16xi32>,
        %swap3A_232 = vector.shape_cast %swap3A_231 : vector<16xi32> to vector<16xi32>
        %swap3A_233 = vector.shape_cast %select_n3A_229 : vector<16xi32> to vector<16xi32>
        tpu.vector_store %arg5[%swap3A_230], %swap3A_233 {strides = array<i32>} : memref<4096xi32, #tpu.memory_space<vmem>>, vector<16xi32>,
        %mul3A_234 = arith.constant 8 : i32
        %mul3A_235 = arith.muli %scan3A_80, %mul3A_234 : i32
        %add3A_236 = arith.constant 7 : i32
        %add3A_237 = arith.addi %mul3A_235, %add3A_236 : i32
        %mul3A_238 = arith.constant 16 : i32
        %mul3A_239 = arith.muli %add3A_237, %mul3A_238 : i32
        %get3A_240 = arith.index_cast %mul3A_239 : i32 to index
        %get3A_241 = tpu.vector_load %arg4[%get3A_240] {strides = array<i32>} : memref<4096xi32, #tpu.memory_space<vmem>>, vector<16xi32>,
        %get3A_242 = vector.shape_cast %get3A_241 : vector<16xi32> to vector<16xi32>
        %lt3A_243 = arith.constant 0 : i32
        %lt3A_244 = vector.broadcast %lt3A_243 : i32 to vector<16xi32>
        %lt3A_245 = arith.cmpi slt, %get3A_242, %lt3A_244 : vector<16xi32>
        %not3A_246 = arith.constant dense<-1> : vector<16xi32>
        %not3A_247 = arith.xori %get3A_242, %not3A_246 : vector<16xi32>
        %xor3A_248 = arith.constant -2147483648 : i32
        %xor3A_249 = vector.broadcast %xor3A_248 : i32 to vector<16xi32>
        %xor3A_250 = arith.xori %not3A_247, %xor3A_249 : vector<16xi32>
        %select_n3A_251 = arith.select %lt3A_245, %xor3A_250, %get3A_242 : vector<16xi1>, vector<16xi32>
        %swap3A_252 = arith.index_cast %mul3A_239 : i32 to index
        %swap3A_253 = tpu.vector_load %arg5[%swap3A_252] {strides = array<i32>} : memref<4096xi32, #tpu.memory_space<vmem>>, vector<16xi32>,
        %swap3A_254 = vector.shape_cast %swap3A_253 : vector<16xi32> to vector<16xi32>
        %swap3A_255 = vector.shape_cast %select_n3A_251 : vector<16xi32> to vector<16xi32>
        tpu.vector_store %arg5[%swap3A_252], %swap3A_255 {strides = array<i32>} : memref<4096xi32, #tpu.memory_space<vmem>>, vector<16xi32>,
      }
      %scan3A_7 = arith.constant 32 : i32
      %broadcast_in_dim3A = arith.constant 0 : i32
      %broadcast_in_dim3A_8 = vector.broadcast %broadcast_in_dim3A : i32 to vector<16xi32>
      %scan3A_9 = arith.constant 0 : i32
      %scan3A_10 = arith.constant 0 : i32
      %scan3A_11 = arith.constant 32 : i32
      %scan3A_12 = arith.addi %scan3A_10, %scan3A_11 : i32
      %scan3A_13 = arith.constant 1 : i32
      %scan3A_14 = scf.for %scan3A_80 = %scan3A_10 to %scan3A_12 step %scan3A_13 iter_args(%scan3A_81 = %broadcast_in_dim3A_8) -> (vector<16xi32>)  : i32 {
        %mul3A_82 = arith.constant 8 : i32
        %mul3A_83 = arith.muli %scan3A_80, %mul3A_82 : i32
        %add3A_84 = arith.constant 0 : i32
        %add3A_85 = arith.addi %mul3A_83, %add3A_84 : i32
        %mul3A_86 = arith.constant 16 : i32
        %mul3A_87 = arith.muli %add3A_85, %mul3A_86 : i32
        %get3A = arith.index_cast %mul3A_87 : i32 to index
        %get3A_88 = tpu.vector_load %arg5[%get3A] {strides = array<i32>} : memref<4096xi32, #tpu.memory_space<vmem>>, vector<16xi32>,
        %get3A_89 = vector.shape_cast %get3A_88 : vector<16xi32> to vector<16xi32>
        %ge3A_90 = vector.broadcast %scan3A_9 : i32 to vector<16xi32>
        %ge3A_91 = arith.cmpi sge, %get3A_89, %ge3A_90 : vector<16xi32>
        %jit3A_92 = arith.constant 1 : i32
        %jit3A_93 = arith.constant 0 : i32
        %broadcast_in_dim3A_94 = vector.broadcast %jit3A_92 : i32 to vector<16xi32>
        %broadcast_in_dim3A_95 = vector.broadcast %jit3A_93 : i32 to vector<16xi32>
        %select_n3A_96 = arith.select %ge3A_91, %broadcast_in_dim3A_94, %broadcast_in_dim3A_95 : vector<16xi1>, vector<16xi32>
        %add3A_97 = arith.addi %scan3A_81, %select_n3A_96 : vector<16xi32>
        %mul3A_98 = arith.constant 8 : i32
        %mul3A_99 = arith.muli %scan3A_80, %mul3A_98 : i32
        %add3A_100 = arith.constant 1 : i32
        %add3A_101 = arith.addi %mul3A_99, %add3A_100 : i32
        %mul3A_102 = arith.constant 16 : i32
        %mul3A_103 = arith.muli %add3A_101, %mul3A_102 : i32
        %get3A_104 = arith.index_cast %mul3A_103 : i32 to index
        %get3A_105 = tpu.vector_load %arg5[%get3A_104] {strides = array<i32>} : memref<4096xi32, #tpu.memory_space<vmem>>, vector<16xi32>,
        %get3A_106 = vector.shape_cast %get3A_105 : vector<16xi32> to vector<16xi32>
        %ge3A_107 = vector.broadcast %scan3A_9 : i32 to vector<16xi32>
        %ge3A_108 = arith.cmpi sge, %get3A_106, %ge3A_107 : vector<16xi32>
        %jit3A_109 = arith.constant 1 : i32
        %jit3A_110 = arith.constant 0 : i32
        %broadcast_in_dim3A_111 = vector.broadcast %jit3A_109 : i32 to vector<16xi32>
        %broadcast_in_dim3A_112 = vector.broadcast %jit3A_110 : i32 to vector<16xi32>
        %select_n3A_113 = arith.select %ge3A_108, %broadcast_in_dim3A_111, %broadcast_in_dim3A_112 : vector<16xi1>, vector<16xi32>
        %add3A_114 = arith.addi %add3A_97, %select_n3A_113 : vector<16xi32>
        %mul3A_115 = arith.constant 8 : i32
        %mul3A_116 = arith.muli %scan3A_80, %mul3A_115 : i32
        %add3A_117 = arith.constant 2 : i32
        %add3A_118 = arith.addi %mul3A_116, %add3A_117 : i32
        %mul3A_119 = arith.constant 16 : i32
        %mul3A_120 = arith.muli %add3A_118, %mul3A_119 : i32
        %get3A_121 = arith.index_cast %mul3A_120 : i32 to index
        %get3A_122 = tpu.vector_load %arg5[%get3A_121] {strides = array<i32>} : memref<4096xi32, #tpu.memory_space<vmem>>, vector<16xi32>,
        %get3A_123 = vector.shape_cast %get3A_122 : vector<16xi32> to vector<16xi32>
        %ge3A_124 = vector.broadcast %scan3A_9 : i32 to vector<16xi32>
        %ge3A_125 = arith.cmpi sge, %get3A_123, %ge3A_124 : vector<16xi32>
        %jit3A_126 = arith.constant 1 : i32
        %jit3A_127 = arith.constant 0 : i32
        %broadcast_in_dim3A_128 = vector.broadcast %jit3A_126 : i32 to vector<16xi32>
        %broadcast_in_dim3A_129 = vector.broadcast %jit3A_127 : i32 to vector<16xi32>
        %select_n3A_130 = arith.select %ge3A_125, %broadcast_in_dim3A_128, %broadcast_in_dim3A_129 : vector<16xi1>, vector<16xi32>
        %add3A_131 = arith.addi %add3A_114, %select_n3A_130 : vector<16xi32>
        %mul3A_132 = arith.constant 8 : i32
        %mul3A_133 = arith.muli %scan3A_80, %mul3A_132 : i32
        %add3A_134 = arith.constant 3 : i32
        %add3A_135 = arith.addi %mul3A_133, %add3A_134 : i32
        %mul3A_136 = arith.constant 16 : i32
        %mul3A_137 = arith.muli %add3A_135, %mul3A_136 : i32
        %get3A_138 = arith.index_cast %mul3A_137 : i32 to index
        %get3A_139 = tpu.vector_load %arg5[%get3A_138] {strides = array<i32>} : memref<4096xi32, #tpu.memory_space<vmem>>, vector<16xi32>,
        %get3A_140 = vector.shape_cast %get3A_139 : vector<16xi32> to vector<16xi32>
        %ge3A_141 = vector.broadcast %scan3A_9 : i32 to vector<16xi32>
        %ge3A_142 = arith.cmpi sge, %get3A_140, %ge3A_141 : vector<16xi32>
        %jit3A_143 = arith.constant 1 : i32
        %jit3A_144 = arith.constant 0 : i32
        %broadcast_in_dim3A_145 = vector.broadcast %jit3A_143 : i32 to vector<16xi32>
        %broadcast_in_dim3A_146 = vector.broadcast %jit3A_144 : i32 to vector<16xi32>
        %select_n3A_147 = arith.select %ge3A_142, %broadcast_in_dim3A_145, %broadcast_in_dim3A_146 : vector<16xi1>, vector<16xi32>
        %add3A_148 = arith.addi %add3A_131, %select_n3A_147 : vector<16xi32>
        %mul3A_149 = arith.constant 8 : i32
        %mul3A_150 = arith.muli %scan3A_80, %mul3A_149 : i32
        %add3A_151 = arith.constant 4 : i32
        %add3A_152 = arith.addi %mul3A_150, %add3A_151 : i32
        %mul3A_153 = arith.constant 16 : i32
        %mul3A_154 = arith.muli %add3A_152, %mul3A_153 : i32
        %get3A_155 = arith.index_cast %mul3A_154 : i32 to index
        %get3A_156 = tpu.vector_load %arg5[%get3A_155] {strides = array<i32>} : memref<4096xi32, #tpu.memory_space<vmem>>, vector<16xi32>,
        %get3A_157 = vector.shape_cast %get3A_156 : vector<16xi32> to vector<16xi32>
        %ge3A_158 = vector.broadcast %scan3A_9 : i32 to vector<16xi32>
        %ge3A_159 = arith.cmpi sge, %get3A_157, %ge3A_158 : vector<16xi32>
        %jit3A_160 = arith.constant 1 : i32
        %jit3A_161 = arith.constant 0 : i32
        %broadcast_in_dim3A_162 = vector.broadcast %jit3A_160 : i32 to vector<16xi32>
        %broadcast_in_dim3A_163 = vector.broadcast %jit3A_161 : i32 to vector<16xi32>
        %select_n3A_164 = arith.select %ge3A_159, %broadcast_in_dim3A_162, %broadcast_in_dim3A_163 : vector<16xi1>, vector<16xi32>
        %add3A_165 = arith.addi %add3A_148, %select_n3A_164 : vector<16xi32>
        %mul3A_166 = arith.constant 8 : i32
        %mul3A_167 = arith.muli %scan3A_80, %mul3A_166 : i32
        %add3A_168 = arith.constant 5 : i32
        %add3A_169 = arith.addi %mul3A_167, %add3A_168 : i32
        %mul3A_170 = arith.constant 16 : i32
        %mul3A_171 = arith.muli %add3A_169, %mul3A_170 : i32
        %get3A_172 = arith.index_cast %mul3A_171 : i32 to index
        %get3A_173 = tpu.vector_load %arg5[%get3A_172] {strides = array<i32>} : memref<4096xi32, #tpu.memory_space<vmem>>, vector<16xi32>,
        %get3A_174 = vector.shape_cast %get3A_173 : vector<16xi32> to vector<16xi32>
        %ge3A_175 = vector.broadcast %scan3A_9 : i32 to vector<16xi32>
        %ge3A_176 = arith.cmpi sge, %get3A_174, %ge3A_175 : vector<16xi32>
        %jit3A_177 = arith.constant 1 : i32
        %jit3A_178 = arith.constant 0 : i32
        %broadcast_in_dim3A_179 = vector.broadcast %jit3A_177 : i32 to vector<16xi32>
        %broadcast_in_dim3A_180 = vector.broadcast %jit3A_178 : i32 to vector<16xi32>
        %select_n3A_181 = arith.select %ge3A_176, %broadcast_in_dim3A_179, %broadcast_in_dim3A_180 : vector<16xi1>, vector<16xi32>
        %add3A_182 = arith.addi %add3A_165, %select_n3A_181 : vector<16xi32>
        %mul3A_183 = arith.constant 8 : i32
        %mul3A_184 = arith.muli %scan3A_80, %mul3A_183 : i32
        %add3A_185 = arith.constant 6 : i32
        %add3A_186 = arith.addi %mul3A_184, %add3A_185 : i32
        %mul3A_187 = arith.constant 16 : i32
        %mul3A_188 = arith.muli %add3A_186, %mul3A_187 : i32
        %get3A_189 = arith.index_cast %mul3A_188 : i32 to index
        %get3A_190 = tpu.vector_load %arg5[%get3A_189] {strides = array<i32>} : memref<4096xi32, #tpu.memory_space<vmem>>, vector<16xi32>,
        %get3A_191 = vector.shape_cast %get3A_190 : vector<16xi32> to vector<16xi32>
        %ge3A_192 = vector.broadcast %scan3A_9 : i32 to vector<16xi32>
        %ge3A_193 = arith.cmpi sge, %get3A_191, %ge3A_192 : vector<16xi32>
        %jit3A_194 = arith.constant 1 : i32
        %jit3A_195 = arith.constant 0 : i32
        %broadcast_in_dim3A_196 = vector.broadcast %jit3A_194 : i32 to vector<16xi32>
        %broadcast_in_dim3A_197 = vector.broadcast %jit3A_195 : i32 to vector<16xi32>
        %select_n3A_198 = arith.select %ge3A_193, %broadcast_in_dim3A_196, %broadcast_in_dim3A_197 : vector<16xi1>, vector<16xi32>
        %add3A_199 = arith.addi %add3A_182, %select_n3A_198 : vector<16xi32>
        %mul3A_200 = arith.constant 8 : i32
        %mul3A_201 = arith.muli %scan3A_80, %mul3A_200 : i32
        %add3A_202 = arith.constant 7 : i32
        %add3A_203 = arith.addi %mul3A_201, %add3A_202 : i32
        %mul3A_204 = arith.constant 16 : i32
        %mul3A_205 = arith.muli %add3A_203, %mul3A_204 : i32
        %get3A_206 = arith.index_cast %mul3A_205 : i32 to index
        %get3A_207 = tpu.vector_load %arg5[%get3A_206] {strides = array<i32>} : memref<4096xi32, #tpu.memory_space<vmem>>, vector<16xi32>,
        %get3A_208 = vector.shape_cast %get3A_207 : vector<16xi32> to vector<16xi32>
        %ge3A_209 = vector.broadcast %scan3A_9 : i32 to vector<16xi32>
        %ge3A_210 = arith.cmpi sge, %get3A_208, %ge3A_209 : vector<16xi32>
        %jit3A_211 = arith.constant 1 : i32
        %jit3A_212 = arith.constant 0 : i32
        %broadcast_in_dim3A_213 = vector.broadcast %jit3A_211 : i32 to vector<16xi32>
        %broadcast_in_dim3A_214 = vector.broadcast %jit3A_212 : i32 to vector<16xi32>
        %select_n3A_215 = arith.select %ge3A_210, %broadcast_in_dim3A_213, %broadcast_in_dim3A_214 : vector<16xi1>, vector<16xi32>
        %add3A_216 = arith.addi %add3A_199, %select_n3A_215 : vector<16xi32>
        scf.yield %add3A_216 : vector<16xi32>
      }
      %scan3A_15 = arith.constant 32 : i32
      %slice3A = vector.extract_strided_slice %scan3A_14 {offsets = [0], sizes = [1], strides = [1]} : vector<16xi32> to vector<1xi32>
      %squeeze3A = vector.extract %slice3A[0] : i32 from vector<1xi32>
      %add3A_16 = arith.constant 0 : i32
      %add3A_17 = arith.addi %add3A_16, %squeeze3A : i32
      %slice3A_18 = vector.extract_strided_slice %scan3A_14 {offsets = [1], sizes = [1], strides = [1]} : vector<16xi32> to vector<1xi32>
      %squeeze3A_19 = vector.extract %slice3A_18[0] : i32 from vector<1xi32>
      %add3A_20 = arith.addi %add3A_17, %squeeze3A_19 : i32
      %slice3A_21 = vector.extract_strided_slice %scan3A_14 {offsets = [2], sizes = [1], strides = [1]} : vector<16xi32> to vector<1xi32>
      %squeeze3A_22 = vector.extract %slice3A_21[0] : i32 from vector<1xi32>
      %add3A_23 = arith.addi %add3A_20, %squeeze3A_22 : i32
      %slice3A_24 = vector.extract_strided_slice %scan3A_14 {offsets = [3], sizes = [1], strides = [1]} : vector<16xi32> to vector<1xi32>
      %squeeze3A_25 = vector.extract %slice3A_24[0] : i32 from vector<1xi32>
      %add3A_26 = arith.addi %add3A_23, %squeeze3A_25 : i32
      %slice3A_27 = vector.extract_strided_slice %scan3A_14 {offsets = [4], sizes = [1], strides = [1]} : vector<16xi32> to vector<1xi32>
      %squeeze3A_28 = vector.extract %slice3A_27[0] : i32 from vector<1xi32>
      %add3A_29 = arith.addi %add3A_26, %squeeze3A_28 : i32
      %slice3A_30 = vector.extract_strided_slice %scan3A_14 {offsets = [5], sizes = [1], strides = [1]} : vector<16xi32> to vector<1xi32>
      %squeeze3A_31 = vector.extract %slice3A_30[0] : i32 from vector<1xi32>
      %add3A_32 = arith.addi %add3A_29, %squeeze3A_31 : i32
      %slice3A_33 = vector.extract_strided_slice %scan3A_14 {offsets = [6], sizes = [1], strides = [1]} : vector<16xi32> to vector<1xi32>
      %squeeze3A_34 = vector.extract %slice3A_33[0] : i32 from vector<1xi32>
      %add3A_35 = arith.addi %add3A_32, %squeeze3A_34 : i32
      %slice3A_36 = vector.extract_strided_slice %scan3A_14 {offsets = [7], sizes = [1], strides = [1]} : vector<16xi32> to vector<1xi32>
      %squeeze3A_37 = vector.extract %slice3A_36[0] : i32 from vector<1xi32>
      %add3A_38 = arith.addi %add3A_35, %squeeze3A_37 : i32
      %slice3A_39 = vector.extract_strided_slice %scan3A_14 {offsets = [8], sizes = [1], strides = [1]} : vector<16xi32> to vector<1xi32>
      %squeeze3A_40 = vector.extract %slice3A_39[0] : i32 from vector<1xi32>
      %add3A_41 = arith.addi %add3A_38, %squeeze3A_40 : i32
      %slice3A_42 = vector.extract_strided_slice %scan3A_14 {offsets = [9], sizes = [1], strides = [1]} : vector<16xi32> to vector<1xi32>
      %squeeze3A_43 = vector.extract %slice3A_42[0] : i32 from vector<1xi32>
      %add3A_44 = arith.addi %add3A_41, %squeeze3A_43 : i32
      %slice3A_45 = vector.extract_strided_slice %scan3A_14 {offsets = [10], sizes = [1], strides = [1]} : vector<16xi32> to vector<1xi32>
      %squeeze3A_46 = vector.extract %slice3A_45[0] : i32 from vector<1xi32>
      %add3A_47 = arith.addi %add3A_44, %squeeze3A_46 : i32
      %slice3A_48 = vector.extract_strided_slice %scan3A_14 {offsets = [11], sizes = [1], strides = [1]} : vector<16xi32> to vector<1xi32>
      %squeeze3A_49 = vector.extract %slice3A_48[0] : i32 from vector<1xi32>
      %add3A_50 = arith.addi %add3A_47, %squeeze3A_49 : i32
      %slice3A_51 = vector.extract_strided_slice %scan3A_14 {offsets = [12], sizes = [1], strides = [1]} : vector<16xi32> to vector<1xi32>
      %squeeze3A_52 = vector.extract %slice3A_51[0] : i32 from vector<1xi32>
      %add3A_53 = arith.addi %add3A_50, %squeeze3A_52 : i32
      %slice3A_54 = vector.extract_strided_slice %scan3A_14 {offsets = [13], sizes = [1], strides = [1]} : vector<16xi32> to vector<1xi32>
      %squeeze3A_55 = vector.extract %slice3A_54[0] : i32 from vector<1xi32>
      %add3A_56 = arith.addi %add3A_53, %squeeze3A_55 : i32
      %slice3A_57 = vector.extract_strided_slice %scan3A_14 {offsets = [14], sizes = [1], strides = [1]} : vector<16xi32> to vector<1xi32>
      %squeeze3A_58 = vector.extract %slice3A_57[0] : i32 from vector<1xi32>
      %add3A_59 = arith.addi %add3A_56, %squeeze3A_58 : i32
      %slice3A_60 = vector.extract_strided_slice %scan3A_14 {offsets = [15], sizes = [1], strides = [1]} : vector<16xi32> to vector<1xi32>
      %squeeze3A_61 = vector.extract %slice3A_60[0] : i32 from vector<1xi32>
      %add3A_62 = arith.addi %add3A_59, %squeeze3A_61 : i32
      %ge3A = arith.constant 2048 : i32
      %ge3A_63 = arith.cmpi sge, %add3A_62, %ge3A : i32
      %jit3A = arith.constant 0 : i32
      %jit3A_64 = arith.constant -2147483648 : i32
      %select_n3A = arith.select %ge3A_63, %jit3A, %jit3A_64 : i32
      %scan3A_65 = arith.constant 0 : i32
      %scan3A_66 = arith.constant 31 : i32
      %scan3A_67 = arith.addi %scan3A_65, %scan3A_66 : i32
      %scan3A_68 = arith.constant 1 : i32
      %scan3A_69 = scf.for %scan3A_80 = %scan3A_65 to %scan3A_67 step %scan3A_68 iter_args(%scan3A_81 = %select_n3A) -> (i32)  : i32 {
        %sub3A = arith.constant 30 : i32
        %sub3A_82 = arith.subi %sub3A, %scan3A_80 : i32
        %shift_left3A = arith.constant 1 : i32
        %shift_left3A_83 = arith.shli %shift_left3A, %sub3A_82 : i32
        %or3A = arith.ori %scan3A_81, %shift_left3A_83 : i32
        %broadcast_in_dim3A_84 = arith.constant 0 : i32
        %broadcast_in_dim3A_85 = vector.broadcast %broadcast_in_dim3A_84 : i32 to vector<16xi32>
        %scan3A_86 = arith.constant 0 : i32
        %scan3A_87 = arith.constant 32 : i32
        %scan3A_88 = arith.addi %scan3A_86, %scan3A_87 : i32
        %scan3A_89 = arith.constant 1 : i32
        %scan3A_90 = scf.for %scan3A_144 = %scan3A_86 to %scan3A_88 step %scan3A_89 iter_args(%scan3A_145 = %broadcast_in_dim3A_85) -> (vector<16xi32>)  : i32 {
          %mul3A_146 = arith.constant 8 : i32
          %mul3A_147 = arith.muli %scan3A_144, %mul3A_146 : i32
          %add3A_148 = arith.constant 0 : i32
          %add3A_149 = arith.addi %mul3A_147, %add3A_148 : i32
          %mul3A_150 = arith.constant 16 : i32
          %mul3A_151 = arith.muli %add3A_149, %mul3A_150 : i32
          %get3A = arith.index_cast %mul3A_151 : i32 to index
          %get3A_152 = tpu.vector_load %arg5[%get3A] {strides = array<i32>} : memref<4096xi32, #tpu.memory_space<vmem>>, vector<16xi32>,
          %get3A_153 = vector.shape_cast %get3A_152 : vector<16xi32> to vector<16xi32>
          %ge3A_154 = vector.broadcast %or3A : i32 to vector<16xi32>
          %ge3A_155 = arith.cmpi sge, %get3A_153, %ge3A_154 : vector<16xi32>
          %jit3A_156 = arith.constant 1 : i32
          %jit3A_157 = arith.constant 0 : i32
          %broadcast_in_dim3A_158 = vector.broadcast %jit3A_156 : i32 to vector<16xi32>
          %broadcast_in_dim3A_159 = vector.broadcast %jit3A_157 : i32 to vector<16xi32>
          %select_n3A_160 = arith.select %ge3A_155, %broadcast_in_dim3A_158, %broadcast_in_dim3A_159 : vector<16xi1>, vector<16xi32>
          %add3A_161 = arith.addi %scan3A_145, %select_n3A_160 : vector<16xi32>
          %mul3A_162 = arith.constant 8 : i32
          %mul3A_163 = arith.muli %scan3A_144, %mul3A_162 : i32
          %add3A_164 = arith.constant 1 : i32
          %add3A_165 = arith.addi %mul3A_163, %add3A_164 : i32
          %mul3A_166 = arith.constant 16 : i32
          %mul3A_167 = arith.muli %add3A_165, %mul3A_166 : i32
          %get3A_168 = arith.index_cast %mul3A_167 : i32 to index
          %get3A_169 = tpu.vector_load %arg5[%get3A_168] {strides = array<i32>} : memref<4096xi32, #tpu.memory_space<vmem>>, vector<16xi32>,
          %get3A_170 = vector.shape_cast %get3A_169 : vector<16xi32> to vector<16xi32>
          %ge3A_171 = vector.broadcast %or3A : i32 to vector<16xi32>
          %ge3A_172 = arith.cmpi sge, %get3A_170, %ge3A_171 : vector<16xi32>
          %jit3A_173 = arith.constant 1 : i32
          %jit3A_174 = arith.constant 0 : i32
          %broadcast_in_dim3A_175 = vector.broadcast %jit3A_173 : i32 to vector<16xi32>
          %broadcast_in_dim3A_176 = vector.broadcast %jit3A_174 : i32 to vector<16xi32>
          %select_n3A_177 = arith.select %ge3A_172, %broadcast_in_dim3A_175, %broadcast_in_dim3A_176 : vector<16xi1>, vector<16xi32>
          %add3A_178 = arith.addi %add3A_161, %select_n3A_177 : vector<16xi32>
          %mul3A_179 = arith.constant 8 : i32
          %mul3A_180 = arith.muli %scan3A_144, %mul3A_179 : i32
          %add3A_181 = arith.constant 2 : i32
          %add3A_182 = arith.addi %mul3A_180, %add3A_181 : i32
          %mul3A_183 = arith.constant 16 : i32
          %mul3A_184 = arith.muli %add3A_182, %mul3A_183 : i32
          %get3A_185 = arith.index_cast %mul3A_184 : i32 to index
          %get3A_186 = tpu.vector_load %arg5[%get3A_185] {strides = array<i32>} : memref<4096xi32, #tpu.memory_space<vmem>>, vector<16xi32>,
          %get3A_187 = vector.shape_cast %get3A_186 : vector<16xi32> to vector<16xi32>
          %ge3A_188 = vector.broadcast %or3A : i32 to vector<16xi32>
          %ge3A_189 = arith.cmpi sge, %get3A_187, %ge3A_188 : vector<16xi32>
          %jit3A_190 = arith.constant 1 : i32
          %jit3A_191 = arith.constant 0 : i32
          %broadcast_in_dim3A_192 = vector.broadcast %jit3A_190 : i32 to vector<16xi32>
          %broadcast_in_dim3A_193 = vector.broadcast %jit3A_191 : i32 to vector<16xi32>
          %select_n3A_194 = arith.select %ge3A_189, %broadcast_in_dim3A_192, %broadcast_in_dim3A_193 : vector<16xi1>, vector<16xi32>
          %add3A_195 = arith.addi %add3A_178, %select_n3A_194 : vector<16xi32>
          %mul3A_196 = arith.constant 8 : i32
          %mul3A_197 = arith.muli %scan3A_144, %mul3A_196 : i32
          %add3A_198 = arith.constant 3 : i32
          %add3A_199 = arith.addi %mul3A_197, %add3A_198 : i32
          %mul3A_200 = arith.constant 16 : i32
          %mul3A_201 = arith.muli %add3A_199, %mul3A_200 : i32
          %get3A_202 = arith.index_cast %mul3A_201 : i32 to index
          %get3A_203 = tpu.vector_load %arg5[%get3A_202] {strides = array<i32>} : memref<4096xi32, #tpu.memory_space<vmem>>, vector<16xi32>,
          %get3A_204 = vector.shape_cast %get3A_203 : vector<16xi32> to vector<16xi32>
          %ge3A_205 = vector.broadcast %or3A : i32 to vector<16xi32>
          %ge3A_206 = arith.cmpi sge, %get3A_204, %ge3A_205 : vector<16xi32>
          %jit3A_207 = arith.constant 1 : i32
          %jit3A_208 = arith.constant 0 : i32
          %broadcast_in_dim3A_209 = vector.broadcast %jit3A_207 : i32 to vector<16xi32>
          %broadcast_in_dim3A_210 = vector.broadcast %jit3A_208 : i32 to vector<16xi32>
          %select_n3A_211 = arith.select %ge3A_206, %broadcast_in_dim3A_209, %broadcast_in_dim3A_210 : vector<16xi1>, vector<16xi32>
          %add3A_212 = arith.addi %add3A_195, %select_n3A_211 : vector<16xi32>
          %mul3A_213 = arith.constant 8 : i32
          %mul3A_214 = arith.muli %scan3A_144, %mul3A_213 : i32
          %add3A_215 = arith.constant 4 : i32
          %add3A_216 = arith.addi %mul3A_214, %add3A_215 : i32
          %mul3A_217 = arith.constant 16 : i32
          %mul3A_218 = arith.muli %add3A_216, %mul3A_217 : i32
          %get3A_219 = arith.index_cast %mul3A_218 : i32 to index
          %get3A_220 = tpu.vector_load %arg5[%get3A_219] {strides = array<i32>} : memref<4096xi32, #tpu.memory_space<vmem>>, vector<16xi32>,
          %get3A_221 = vector.shape_cast %get3A_220 : vector<16xi32> to vector<16xi32>
          %ge3A_222 = vector.broadcast %or3A : i32 to vector<16xi32>
          %ge3A_223 = arith.cmpi sge, %get3A_221, %ge3A_222 : vector<16xi32>
          %jit3A_224 = arith.constant 1 : i32
          %jit3A_225 = arith.constant 0 : i32
          %broadcast_in_dim3A_226 = vector.broadcast %jit3A_224 : i32 to vector<16xi32>
          %broadcast_in_dim3A_227 = vector.broadcast %jit3A_225 : i32 to vector<16xi32>
          %select_n3A_228 = arith.select %ge3A_223, %broadcast_in_dim3A_226, %broadcast_in_dim3A_227 : vector<16xi1>, vector<16xi32>
          %add3A_229 = arith.addi %add3A_212, %select_n3A_228 : vector<16xi32>
          %mul3A_230 = arith.constant 8 : i32
          %mul3A_231 = arith.muli %scan3A_144, %mul3A_230 : i32
          %add3A_232 = arith.constant 5 : i32
          %add3A_233 = arith.addi %mul3A_231, %add3A_232 : i32
          %mul3A_234 = arith.constant 16 : i32
          %mul3A_235 = arith.muli %add3A_233, %mul3A_234 : i32
          %get3A_236 = arith.index_cast %mul3A_235 : i32 to index
          %get3A_237 = tpu.vector_load %arg5[%get3A_236] {strides = array<i32>} : memref<4096xi32, #tpu.memory_space<vmem>>, vector<16xi32>,
          %get3A_238 = vector.shape_cast %get3A_237 : vector<16xi32> to vector<16xi32>
          %ge3A_239 = vector.broadcast %or3A : i32 to vector<16xi32>
          %ge3A_240 = arith.cmpi sge, %get3A_238, %ge3A_239 : vector<16xi32>
          %jit3A_241 = arith.constant 1 : i32
          %jit3A_242 = arith.constant 0 : i32
          %broadcast_in_dim3A_243 = vector.broadcast %jit3A_241 : i32 to vector<16xi32>
          %broadcast_in_dim3A_244 = vector.broadcast %jit3A_242 : i32 to vector<16xi32>
          %select_n3A_245 = arith.select %ge3A_240, %broadcast_in_dim3A_243, %broadcast_in_dim3A_244 : vector<16xi1>, vector<16xi32>
          %add3A_246 = arith.addi %add3A_229, %select_n3A_245 : vector<16xi32>
          %mul3A_247 = arith.constant 8 : i32
          %mul3A_248 = arith.muli %scan3A_144, %mul3A_247 : i32
          %add3A_249 = arith.constant 6 : i32
          %add3A_250 = arith.addi %mul3A_248, %add3A_249 : i32
          %mul3A_251 = arith.constant 16 : i32
          %mul3A_252 = arith.muli %add3A_250, %mul3A_251 : i32
          %get3A_253 = arith.index_cast %mul3A_252 : i32 to index
          %get3A_254 = tpu.vector_load %arg5[%get3A_253] {strides = array<i32>} : memref<4096xi32, #tpu.memory_space<vmem>>, vector<16xi32>,
          %get3A_255 = vector.shape_cast %get3A_254 : vector<16xi32> to vector<16xi32>
          %ge3A_256 = vector.broadcast %or3A : i32 to vector<16xi32>
          %ge3A_257 = arith.cmpi sge, %get3A_255, %ge3A_256 : vector<16xi32>
          %jit3A_258 = arith.constant 1 : i32
          %jit3A_259 = arith.constant 0 : i32
          %broadcast_in_dim3A_260 = vector.broadcast %jit3A_258 : i32 to vector<16xi32>
          %broadcast_in_dim3A_261 = vector.broadcast %jit3A_259 : i32 to vector<16xi32>
          %select_n3A_262 = arith.select %ge3A_257, %broadcast_in_dim3A_260, %broadcast_in_dim3A_261 : vector<16xi1>, vector<16xi32>
          %add3A_263 = arith.addi %add3A_246, %select_n3A_262 : vector<16xi32>
          %mul3A_264 = arith.constant 8 : i32
          %mul3A_265 = arith.muli %scan3A_144, %mul3A_264 : i32
          %add3A_266 = arith.constant 7 : i32
          %add3A_267 = arith.addi %mul3A_265, %add3A_266 : i32
          %mul3A_268 = arith.constant 16 : i32
          %mul3A_269 = arith.muli %add3A_267, %mul3A_268 : i32
          %get3A_270 = arith.index_cast %mul3A_269 : i32 to index
          %get3A_271 = tpu.vector_load %arg5[%get3A_270] {strides = array<i32>} : memref<4096xi32, #tpu.memory_space<vmem>>, vector<16xi32>,
          %get3A_272 = vector.shape_cast %get3A_271 : vector<16xi32> to vector<16xi32>
          %ge3A_273 = vector.broadcast %or3A : i32 to vector<16xi32>
          %ge3A_274 = arith.cmpi sge, %get3A_272, %ge3A_273 : vector<16xi32>
          %jit3A_275 = arith.constant 1 : i32
          %jit3A_276 = arith.constant 0 : i32
          %broadcast_in_dim3A_277 = vector.broadcast %jit3A_275 : i32 to vector<16xi32>
          %broadcast_in_dim3A_278 = vector.broadcast %jit3A_276 : i32 to vector<16xi32>
          %select_n3A_279 = arith.select %ge3A_274, %broadcast_in_dim3A_277, %broadcast_in_dim3A_278 : vector<16xi1>, vector<16xi32>
          %add3A_280 = arith.addi %add3A_263, %select_n3A_279 : vector<16xi32>
          scf.yield %add3A_280 : vector<16xi32>
        }
        %scan3A_91 = arith.constant 32 : i32
        %slice3A_92 = vector.extract_strided_slice %scan3A_90 {offsets = [0], sizes = [1], strides = [1]} : vector<16xi32> to vector<1xi32>
        %squeeze3A_93 = vector.extract %slice3A_92[0] : i32 from vector<1xi32>
        %add3A_94 = arith.constant 0 : i32
        %add3A_95 = arith.addi %add3A_94, %squeeze3A_93 : i32
        %slice3A_96 = vector.extract_strided_slice %scan3A_90 {offsets = [1], sizes = [1], strides = [1]} : vector<16xi32> to vector<1xi32>
        %squeeze3A_97 = vector.extract %slice3A_96[0] : i32 from vector<1xi32>
        %add3A_98 = arith.addi %add3A_95, %squeeze3A_97 : i32
        %slice3A_99 = vector.extract_strided_slice %scan3A_90 {offsets = [2], sizes = [1], strides = [1]} : vector<16xi32> to vector<1xi32>
        %squeeze3A_100 = vector.extract %slice3A_99[0] : i32 from vector<1xi32>
        %add3A_101 = arith.addi %add3A_98, %squeeze3A_100 : i32
        %slice3A_102 = vector.extract_strided_slice %scan3A_90 {offsets = [3], sizes = [1], strides = [1]} : vector<16xi32> to vector<1xi32>
        %squeeze3A_103 = vector.extract %slice3A_102[0] : i32 from vector<1xi32>
        %add3A_104 = arith.addi %add3A_101, %squeeze3A_103 : i32
        %slice3A_105 = vector.extract_strided_slice %scan3A_90 {offsets = [4], sizes = [1], strides = [1]} : vector<16xi32> to vector<1xi32>
        %squeeze3A_106 = vector.extract %slice3A_105[0] : i32 from vector<1xi32>
        %add3A_107 = arith.addi %add3A_104, %squeeze3A_106 : i32
        %slice3A_108 = vector.extract_strided_slice %scan3A_90 {offsets = [5], sizes = [1], strides = [1]} : vector<16xi32> to vector<1xi32>
        %squeeze3A_109 = vector.extract %slice3A_108[0] : i32 from vector<1xi32>
        %add3A_110 = arith.addi %add3A_107, %squeeze3A_109 : i32
        %slice3A_111 = vector.extract_strided_slice %scan3A_90 {offsets = [6], sizes = [1], strides = [1]} : vector<16xi32> to vector<1xi32>
        %squeeze3A_112 = vector.extract %slice3A_111[0] : i32 from vector<1xi32>
        %add3A_113 = arith.addi %add3A_110, %squeeze3A_112 : i32
        %slice3A_114 = vector.extract_strided_slice %scan3A_90 {offsets = [7], sizes = [1], strides = [1]} : vector<16xi32> to vector<1xi32>
        %squeeze3A_115 = vector.extract %slice3A_114[0] : i32 from vector<1xi32>
        %add3A_116 = arith.addi %add3A_113, %squeeze3A_115 : i32
        %slice3A_117 = vector.extract_strided_slice %scan3A_90 {offsets = [8], sizes = [1], strides = [1]} : vector<16xi32> to vector<1xi32>
        %squeeze3A_118 = vector.extract %slice3A_117[0] : i32 from vector<1xi32>
        %add3A_119 = arith.addi %add3A_116, %squeeze3A_118 : i32
        %slice3A_120 = vector.extract_strided_slice %scan3A_90 {offsets = [9], sizes = [1], strides = [1]} : vector<16xi32> to vector<1xi32>
        %squeeze3A_121 = vector.extract %slice3A_120[0] : i32 from vector<1xi32>
        %add3A_122 = arith.addi %add3A_119, %squeeze3A_121 : i32
        %slice3A_123 = vector.extract_strided_slice %scan3A_90 {offsets = [10], sizes = [1], strides = [1]} : vector<16xi32> to vector<1xi32>
        %squeeze3A_124 = vector.extract %slice3A_123[0] : i32 from vector<1xi32>
        %add3A_125 = arith.addi %add3A_122, %squeeze3A_124 : i32
        %slice3A_126 = vector.extract_strided_slice %scan3A_90 {offsets = [11], sizes = [1], strides = [1]} : vector<16xi32> to vector<1xi32>
        %squeeze3A_127 = vector.extract %slice3A_126[0] : i32 from vector<1xi32>
        %add3A_128 = arith.addi %add3A_125, %squeeze3A_127 : i32
        %slice3A_129 = vector.extract_strided_slice %scan3A_90 {offsets = [12], sizes = [1], strides = [1]} : vector<16xi32> to vector<1xi32>
        %squeeze3A_130 = vector.extract %slice3A_129[0] : i32 from vector<1xi32>
        %add3A_131 = arith.addi %add3A_128, %squeeze3A_130 : i32
        %slice3A_132 = vector.extract_strided_slice %scan3A_90 {offsets = [13], sizes = [1], strides = [1]} : vector<16xi32> to vector<1xi32>
        %squeeze3A_133 = vector.extract %slice3A_132[0] : i32 from vector<1xi32>
        %add3A_134 = arith.addi %add3A_131, %squeeze3A_133 : i32
        %slice3A_135 = vector.extract_strided_slice %scan3A_90 {offsets = [14], sizes = [1], strides = [1]} : vector<16xi32> to vector<1xi32>
        %squeeze3A_136 = vector.extract %slice3A_135[0] : i32 from vector<1xi32>
        %add3A_137 = arith.addi %add3A_134, %squeeze3A_136 : i32
        %slice3A_138 = vector.extract_strided_slice %scan3A_90 {offsets = [15], sizes = [1], strides = [1]} : vector<16xi32> to vector<1xi32>
        %squeeze3A_139 = vector.extract %slice3A_138[0] : i32 from vector<1xi32>
        %add3A_140 = arith.addi %add3A_137, %squeeze3A_139 : i32
        %ge3A_141 = arith.constant 2048 : i32
        %ge3A_142 = arith.cmpi sge, %add3A_140, %ge3A_141 : i32
        %select_n3A_143 = arith.select %ge3A_142, %or3A, %scan3A_81 : i32
        scf.yield %select_n3A_143 : i32
      }
      %scan3A_70 = arith.constant 31 : i32
      %ge3A_71 = arith.constant 0 : i32
      %ge3A_72 = arith.cmpi sge, %scan3A_69, %ge3A_71 : i32
      %xor3A = arith.constant -2147483648 : i32
      %xor3A_73 = arith.xori %scan3A_69, %xor3A : i32
      %not3A = arith.constant -1 : i32
      %not3A_74 = arith.xori %xor3A_73, %not3A : i32
      %select_n3A_75 = arith.select %ge3A_72, %scan3A_69, %not3A_74 : i32
      %broadcast_in_dim3A_76 = vector.broadcast %select_n3A_75 : i32 to vector<16xi32>
      %swap3A = arith.constant 0 : index
      %swap3A_77 = tpu.vector_load %arg6[%swap3A] {strides = array<i32>} : memref<16xi32, #tpu.memory_space<vmem>>, vector<16xi32>,
      %swap3A_78 = vector.shape_cast %swap3A_77 : vector<16xi32> to vector<16xi32>
      %swap3A_79 = vector.shape_cast %broadcast_in_dim3A_76 : vector<16xi32> to vector<16xi32>
      tpu.vector_store %arg6[%swap3A], %swap3A_79 {strides = array<i32>} : memref<16xi32, #tpu.memory_space<vmem>>, vector<16xi32>,
      "tpu.region"() ({
        %run_scoped3A = tpu.sem_alloc : memref<!tpu.dma_semaphore, #tpu.memory_space<semaphore_mem>>
        %dma_start3A = arith.constant 0 : i32
        %dma_start3A_80 = tpu.memref_slice %arg3[%add3A, %dma_start3A] : memref<16x16xi32, #tpu.memory_space<hbm>> -> memref<1x16xi32, #tpu.memory_space<hbm>>
        %dma_start3A_81 = tpu.memref_squeeze %dma_start3A_80 : memref<1x16xi32, #tpu.memory_space<hbm>> -> memref<16xi32, #tpu.memory_space<hbm>>
        %dma_start3A_82 = arith.constant 0 : i32
        %dma_start3A_83 = tpu.memref_slice %arg3[%add3A, %dma_start3A_82] : memref<16x16xi32, #tpu.memory_space<hbm>> -> memref<1x16xi32, #tpu.memory_space<hbm>>
        %dma_start3A_84 = tpu.memref_squeeze %dma_start3A_83 : memref<1x16xi32, #tpu.memory_space<hbm>> -> memref<16xi32, #tpu.memory_space<hbm>>
        tpu.enqueue_dma source(%arg6 : memref<16xi32, #tpu.memory_space<vmem>>) target(%dma_start3A_84 : memref<16xi32, #tpu.memory_space<hbm>>) target_semaphore(%run_scoped3A : memref<!tpu.dma_semaphore, #tpu.memory_space<semaphore_mem>>)
        %dma_wait3A = arith.constant 0 : i32
        %dma_wait3A_85 = tpu.memref_slice %arg3[%add3A, %dma_wait3A] : memref<16x16xi32, #tpu.memory_space<hbm>> -> memref<1x16xi32, #tpu.memory_space<hbm>>
        %dma_wait3A_86 = tpu.memref_squeeze %dma_wait3A_85 : memref<1x16xi32, #tpu.memory_space<hbm>> -> memref<16xi32, #tpu.memory_space<hbm>>
        %dma_wait3A_87 = arith.constant 0 : i32
        %dma_wait3A_88 = tpu.memref_slice %arg3[%add3A, %dma_wait3A_87] : memref<16x16xi32, #tpu.memory_space<hbm>> -> memref<1x16xi32, #tpu.memory_space<hbm>>
        %dma_wait3A_89 = tpu.memref_squeeze %dma_wait3A_88 : memref<1x16xi32, #tpu.memory_space<hbm>> -> memref<16xi32, #tpu.memory_space<hbm>>
        tpu.wait_dma2 semaphore(%run_scoped3A : memref<!tpu.dma_semaphore, #tpu.memory_space<semaphore_mem>>) src(%arg6 : memref<16xi32, #tpu.memory_space<vmem>>) dst(%dma_wait3A_89 : memref<16xi32, #tpu.memory_space<hbm>>)
        tpu.yield
      }) : () -> ()
    } else {
    }
    return
  }
}

module attributes {stable_mosaic.version = 14 : i64} {
  func.func @_idx_scores_body(%arg0: i32, %arg1: i32, %arg2: memref<16xi32, #tpu.memory_space<smem>>, %arg3: memref<1x64x576xf32, #tpu.memory_space<vmem>>, %arg4: memref<1x1024x576xf32, #tpu.memory_space<vmem>>, %arg5: memref<1x64x1024xbf16, #tpu.memory_space<vmem>>, %arg6: memref<1x1x1024xf32, #tpu.memory_space<vmem>>) attributes {dimension_semantics = [#tpu.dimension_semantics<arbitrary>, #tpu.dimension_semantics<arbitrary>], iteration_bounds = array<i64: 16, 4>, scalar_prefetch = 1 : i64, scratch_operands = 0 : i64, tpu.core_type = #tpu.core_type<tc>, window_params = [{transform_indices = @transform_0, window_bounds = array<i64: 1, 64, 576>}, {transform_indices = @transform_1, window_bounds = array<i64: 1, 1024, 576>}, {transform_indices = @transform_2, window_bounds = array<i64: 1, 64, 1024>}, {transform_indices = @transform_3, window_bounds = array<i64: 1, 1, 1024>}]} {
    %mul3A = arith.constant 1024 : i32
    %mul3A_0 = arith.muli %arg1, %mul3A : i32
    %get3A = arith.index_cast %arg0 : i32 to index
    %get3A_1 = memref.load %arg2[%get3A] : memref<16xi32, #tpu.memory_space<smem>>
    %le3A = arith.cmpi sle, %mul3A_0, %get3A_1 : i32
    %convert_element_type3A = arith.extui %le3A : i1 to i32
    %cond3A = arith.constant 0 : i32
    %cond3A_2 = arith.cmpi ne, %convert_element_type3A, %cond3A : i32
    scf.if %cond3A_2 {
      %get3A_7 = arith.constant 0 : index
      %get3A_8 = arith.constant 0 : index
      %get3A_9 = arith.constant 0 : index
      %get3A_10 = vector.load %arg4[%get3A_7, %get3A_8, %get3A_9] : memref<1x1024x576xf32, #tpu.memory_space<vmem>>, vector<1x1024x576xf32>
      %get3A_11 = vector.shape_cast %get3A_10 : vector<1x1024x576xf32> to vector<1024x576xf32>
      %get3A_12 = arith.constant 0 : index
      %get3A_13 = arith.constant 0 : index
      %get3A_14 = arith.constant 0 : index
      %get3A_15 = vector.load %arg3[%get3A_12, %get3A_13, %get3A_14] : memref<1x64x576xf32, #tpu.memory_space<vmem>>, vector<1x64x576xf32>
      %get3A_16 = vector.shape_cast %get3A_15 : vector<1x64x576xf32> to vector<64x576xf32>
      %dot_general3A = arith.constant dense<0.000000e+00> : vector<64x1024xf32>
      %dot_general3A_17 = tpu.matmul %get3A_16, %get3A_11, %dot_general3A {dimension_numbers = #tpu.dot_dimension_numbers<[1], [1], [0], [0], [0, 0, 1, 0], [], []>, transpose_lhs_hint = false} : vector<64x576xf32>, vector<1024x576xf32>, vector<64x1024xf32> -> vector<64x1024xf32>
      %mul3A_18 = arith.constant 0.0721687824 : f32
      %mul3A_19 = vector.broadcast %mul3A_18 : f32 to vector<64x1024xf32>
      %mul3A_20 = arith.mulf %dot_general3A_17, %mul3A_19 : vector<64x1024xf32>
      %iota3A = tpu.iota {dimensions = array<i32: 1>} : vector<1x1024xi32>
      %mul3A_21 = arith.constant 1024 : i32
      %mul3A_22 = arith.muli %arg1, %mul3A_21 : i32
      %add3A = vector.broadcast %mul3A_22 : i32 to vector<1x1024xi32>
      %add3A_23 = arith.addi %iota3A, %add3A : vector<1x1024xi32>
      %get3A_24 = arith.index_cast %arg0 : i32 to index
      %get3A_25 = memref.load %arg2[%get3A_24] : memref<16xi32, #tpu.memory_space<smem>>
      %le3A_26 = vector.broadcast %get3A_25 : i32 to vector<1x1024xi32>
      %le3A_27 = arith.cmpi sle, %add3A_23, %le3A_26 : vector<1x1024xi32>
      %jit3A = arith.constant -1.000000e+30 : f32
      %broadcast_in_dim3A = vector.shape_cast %le3A_27 : vector<1x1024xi1> to vector<1x1024xi1>
      %broadcast_in_dim3A_28 = vector.broadcast %broadcast_in_dim3A : vector<1x1024xi1> to vector<64x1024xi1>
      %broadcast_in_dim3A_29 = vector.broadcast %jit3A : f32 to vector<64x1024xf32>
      %select_n3A = arith.select %broadcast_in_dim3A_28, %mul3A_20, %broadcast_in_dim3A_29 : vector<64x1024xi1>, vector<64x1024xf32>
      %convert_element_type3A_30 = arith.truncf %select_n3A : vector<64x1024xf32> to vector<64x1024xbf16>
      %swap3A = arith.constant 0 : index
      %swap3A_31 = arith.constant 0 : index
      %swap3A_32 = arith.constant 0 : index
      %swap3A_33 = vector.load %arg5[%swap3A, %swap3A_31, %swap3A_32] : memref<1x64x1024xbf16, #tpu.memory_space<vmem>>, vector<1x64x1024xbf16>
      %swap3A_34 = vector.shape_cast %swap3A_33 : vector<1x64x1024xbf16> to vector<64x1024xbf16>
      %swap3A_35 = vector.shape_cast %convert_element_type3A_30 : vector<64x1024xbf16> to vector<1x64x1024xbf16>
      tpu.vector_store %arg5[%swap3A, %swap3A_31, %swap3A_32], %swap3A_35 {strides = array<i32>} : memref<1x64x1024xbf16, #tpu.memory_space<vmem>>, vector<1x64x1024xbf16>,
      %reduce_sum3A = arith.constant dense<0.000000e+00> : vector<1024xf32>
      %reduce_sum3A_36 = vector.multi_reduction <add>, %select_n3A, %reduce_sum3A [0] : vector<64x1024xf32> to vector<1024xf32>
      %broadcast_in_dim3A_37 = vector.shape_cast %reduce_sum3A_36 : vector<1024xf32> to vector<1x1024xf32>
      %div3A = arith.constant 6.400000e+01 : f32
      %div3A_38 = vector.broadcast %div3A : f32 to vector<1x1024xf32>
      %div3A_39 = arith.divf %broadcast_in_dim3A_37, %div3A_38 : vector<1x1024xf32>
      %swap3A_40 = arith.constant 0 : index
      %swap3A_41 = arith.constant 0 : index
      %swap3A_42 = arith.constant 0 : index
      %swap3A_43 = vector.load %arg6[%swap3A_40, %swap3A_41, %swap3A_42] : memref<1x1x1024xf32, #tpu.memory_space<vmem>>, vector<1x1x1024xf32>
      %swap3A_44 = vector.shape_cast %swap3A_43 : vector<1x1x1024xf32> to vector<1x1024xf32>
      %swap3A_45 = vector.shape_cast %div3A_39 : vector<1x1024xf32> to vector<1x1x1024xf32>
      tpu.vector_store %arg6[%swap3A_40, %swap3A_41, %swap3A_42], %swap3A_45 {strides = array<i32>} : memref<1x1x1024xf32, #tpu.memory_space<vmem>>, vector<1x1x1024xf32>,
    } else {
    }
    %not3A = arith.constant true
    %not3A_3 = arith.xori %le3A, %not3A : i1
    %convert_element_type3A_4 = arith.extui %not3A_3 : i1 to i32
    %cond3A_5 = arith.constant 0 : i32
    %cond3A_6 = arith.cmpi ne, %convert_element_type3A_4, %cond3A_5 : i32
    scf.if %cond3A_6 {
      %broadcast_in_dim3A = arith.constant -1.000000e+30 : f32
      %broadcast_in_dim3A_7 = vector.broadcast %broadcast_in_dim3A : f32 to vector<1x1024xf32>
      %swap3A = arith.constant 0 : index
      %swap3A_8 = arith.constant 0 : index
      %swap3A_9 = arith.constant 0 : index
      %swap3A_10 = vector.load %arg6[%swap3A, %swap3A_8, %swap3A_9] : memref<1x1x1024xf32, #tpu.memory_space<vmem>>, vector<1x1x1024xf32>
      %swap3A_11 = vector.shape_cast %swap3A_10 : vector<1x1x1024xf32> to vector<1x1024xf32>
      %swap3A_12 = vector.shape_cast %broadcast_in_dim3A_7 : vector<1x1024xf32> to vector<1x1x1024xf32>
      tpu.vector_store %arg6[%swap3A, %swap3A_8, %swap3A_9], %swap3A_12 {strides = array<i32>} : memref<1x1x1024xf32, #tpu.memory_space<vmem>>, vector<1x1x1024xf32>,
    } else {
    }
    return
  }
  func.func @transform_0(%arg0: i32, %arg1: i32, %arg2: memref<16xi32, #tpu.memory_space<smem>>) -> (i32, i32, i32) {
    %c0_i32 = arith.constant 0 : i32
    %c0_i32_0 = arith.constant 0 : i32
    %c0_i32_1 = arith.constant 0 : i32
    return %arg0, %c0_i32, %c0_i32_0 : i32, i32, i32
  }
  func.func @transform_1(%arg0: i32, %arg1: i32, %arg2: memref<16xi32, #tpu.memory_space<smem>>) -> (i32, i32, i32) {
    %get3A = arith.index_cast %arg0 : i32 to index
    %get3A_0 = memref.load %arg2[%get3A] : memref<16xi32, #tpu.memory_space<smem>>
    %jit3A = arith.constant 1024 : i32
    %div3A = arith.divsi %get3A_0, %jit3A : i32
    %sign3A = arith.constant 0 : i32
    %sign3A_1 = arith.cmpi sgt, %get3A_0, %sign3A : i32
    %sign3A_2 = arith.extui %sign3A_1 : i1 to i32
    %sign3A_3 = arith.constant 0 : i32
    %sign3A_4 = arith.cmpi slt, %get3A_0, %sign3A_3 : i32
    %sign3A_5 = arith.extui %sign3A_4 : i1 to i32
    %sign3A_6 = arith.subi %sign3A_2, %sign3A_5 : i32
    %sign3A_7 = arith.constant 0 : i32
    %sign3A_8 = arith.cmpi sgt, %jit3A, %sign3A_7 : i32
    %sign3A_9 = arith.extui %sign3A_8 : i1 to i32
    %sign3A_10 = arith.constant 0 : i32
    %sign3A_11 = arith.cmpi slt, %jit3A, %sign3A_10 : i32
    %sign3A_12 = arith.extui %sign3A_11 : i1 to i32
    %sign3A_13 = arith.subi %sign3A_9, %sign3A_12 : i32
    %ne3A = arith.cmpi ne, %sign3A_6, %sign3A_13 : i32
    %rem3A = arith.remsi %get3A_0, %jit3A : i32
    %ne3A_14 = arith.constant 0 : i32
    %ne3A_15 = arith.cmpi ne, %rem3A, %ne3A_14 : i32
    %and3A = arith.andi %ne3A, %ne3A_15 : i1
    %sub3A = arith.constant 1 : i32
    %sub3A_16 = arith.subi %div3A, %sub3A : i32
    %select_n3A = arith.select %and3A, %sub3A_16, %div3A : i32
    %min3A = arith.minsi %arg1, %select_n3A : i32
    %c0_i32 = arith.constant 0 : i32
    %c0_i32_17 = arith.constant 0 : i32
    return %arg0, %min3A, %c0_i32 : i32, i32, i32
  }
  func.func @transform_2(%arg0: i32, %arg1: i32, %arg2: memref<16xi32, #tpu.memory_space<smem>>) -> (i32, i32, i32) {
    %get3A = arith.index_cast %arg0 : i32 to index
    %get3A_0 = memref.load %arg2[%get3A] : memref<16xi32, #tpu.memory_space<smem>>
    %jit3A = arith.constant 1024 : i32
    %div3A = arith.divsi %get3A_0, %jit3A : i32
    %sign3A = arith.constant 0 : i32
    %sign3A_1 = arith.cmpi sgt, %get3A_0, %sign3A : i32
    %sign3A_2 = arith.extui %sign3A_1 : i1 to i32
    %sign3A_3 = arith.constant 0 : i32
    %sign3A_4 = arith.cmpi slt, %get3A_0, %sign3A_3 : i32
    %sign3A_5 = arith.extui %sign3A_4 : i1 to i32
    %sign3A_6 = arith.subi %sign3A_2, %sign3A_5 : i32
    %sign3A_7 = arith.constant 0 : i32
    %sign3A_8 = arith.cmpi sgt, %jit3A, %sign3A_7 : i32
    %sign3A_9 = arith.extui %sign3A_8 : i1 to i32
    %sign3A_10 = arith.constant 0 : i32
    %sign3A_11 = arith.cmpi slt, %jit3A, %sign3A_10 : i32
    %sign3A_12 = arith.extui %sign3A_11 : i1 to i32
    %sign3A_13 = arith.subi %sign3A_9, %sign3A_12 : i32
    %ne3A = arith.cmpi ne, %sign3A_6, %sign3A_13 : i32
    %rem3A = arith.remsi %get3A_0, %jit3A : i32
    %ne3A_14 = arith.constant 0 : i32
    %ne3A_15 = arith.cmpi ne, %rem3A, %ne3A_14 : i32
    %and3A = arith.andi %ne3A, %ne3A_15 : i1
    %sub3A = arith.constant 1 : i32
    %sub3A_16 = arith.subi %div3A, %sub3A : i32
    %select_n3A = arith.select %and3A, %sub3A_16, %div3A : i32
    %min3A = arith.minsi %arg1, %select_n3A : i32
    %c0_i32 = arith.constant 0 : i32
    %c0_i32_17 = arith.constant 0 : i32
    return %arg0, %c0_i32, %min3A : i32, i32, i32
  }
  func.func @transform_3(%arg0: i32, %arg1: i32, %arg2: memref<16xi32, #tpu.memory_space<smem>>) -> (i32, i32, i32) {
    %c0_i32 = arith.constant 0 : i32
    %c0_i32_0 = arith.constant 0 : i32
    return %arg0, %c0_i32, %arg1 : i32, i32, i32
  }
}

module attributes {stable_mosaic.version = 14 : i64} {
  func.func @_flash_body(%arg0: i32, %arg1: i32, %arg2: memref<16xi32, #tpu.memory_space<smem>>, %arg3: memref<16xf32, #tpu.memory_space<smem>>, %arg4: memref<1x64x1024xbf16, #tpu.memory_space<vmem>>, %arg5: memref<1x1024x576xf32, #tpu.memory_space<vmem>>, %arg6: memref<1x1x1024xf32, #tpu.memory_space<vmem>>, %arg7: memref<1x64xf32, #tpu.memory_space<vmem>>, %arg8: memref<1x64x512xf32, #tpu.memory_space<vmem>>, %arg9: memref<64x1xf32, #tpu.memory_space<vmem>>, %arg10: memref<64x1xf32, #tpu.memory_space<vmem>>, %arg11: memref<64x512xf32, #tpu.memory_space<vmem>>) attributes {dimension_semantics = [#tpu.dimension_semantics<arbitrary>, #tpu.dimension_semantics<arbitrary>], iteration_bounds = array<i64: 16, 4>, scalar_prefetch = 1 : i64, scratch_operands = 3 : i64, tpu.core_type = #tpu.core_type<tc>, window_params = [{transform_indices = @transform_0, window_bounds = array<i64: 16>}, {transform_indices = @transform_1, window_bounds = array<i64: 1, 64, 1024>}, {transform_indices = @transform_2, window_bounds = array<i64: 1, 1024, 576>}, {transform_indices = @transform_3, window_bounds = array<i64: 1, 1, 1024>}, {pipeline_mode = #tpu.pipeline_mode<synchronous>, transform_indices = @transform_4, window_bounds = array<i64: 1, 64>}, {transform_indices = @transform_5, window_bounds = array<i64: 1, 64, 512>}]} {
    %eq3A = arith.constant 0 : i32
    %eq3A_0 = arith.cmpi eq, %arg1, %eq3A : i32
    %convert_element_type3A = arith.extui %eq3A_0 : i1 to i32
    %cond3A = arith.constant 0 : i32
    %cond3A_1 = arith.cmpi ne, %convert_element_type3A, %cond3A : i32
    scf.if %cond3A_1 {
      %get3A_12 = arith.constant 0 : index
      %get3A_13 = arith.constant 0 : index
      %get3A_14 = vector.load %arg7[%get3A_12, %get3A_13] : memref<1x64xf32, #tpu.memory_space<vmem>>, vector<1x64xf32>
      %get3A_15 = vector.shape_cast %get3A_14 : vector<1x64xf32> to vector<64xf32>
      %broadcast_in_dim3A = vector.shape_cast %get3A_15 : vector<64xf32> to vector<64x1xf32>
      %swap3A = arith.constant 0 : index
      %swap3A_16 = arith.constant 0 : index
      %swap3A_17 = vector.load %arg9[%swap3A, %swap3A_16] : memref<64x1xf32, #tpu.memory_space<vmem>>, vector<64x1xf32>
      tpu.vector_store %arg9[%swap3A, %swap3A_16], %broadcast_in_dim3A {strides = array<i32>} : memref<64x1xf32, #tpu.memory_space<vmem>>, vector<64x1xf32>,
      %broadcast_in_dim3A_18 = arith.constant 1.000000e+00 : f32
      %broadcast_in_dim3A_19 = vector.broadcast %broadcast_in_dim3A_18 : f32 to vector<64x1xf32>
      %swap3A_20 = arith.constant 0 : index
      %swap3A_21 = arith.constant 0 : index
      %swap3A_22 = vector.load %arg10[%swap3A_20, %swap3A_21] : memref<64x1xf32, #tpu.memory_space<vmem>>, vector<64x1xf32>
      tpu.vector_store %arg10[%swap3A_20, %swap3A_21], %broadcast_in_dim3A_19 {strides = array<i32>} : memref<64x1xf32, #tpu.memory_space<vmem>>, vector<64x1xf32>,
      %broadcast_in_dim3A_23 = arith.constant 0.000000e+00 : f32
      %broadcast_in_dim3A_24 = vector.broadcast %broadcast_in_dim3A_23 : f32 to vector<64x512xf32>
      %swap3A_25 = arith.constant 0 : index
      %swap3A_26 = arith.constant 0 : index
      %swap3A_27 = vector.load %arg11[%swap3A_25, %swap3A_26] : memref<64x512xf32, #tpu.memory_space<vmem>>, vector<64x512xf32>
      tpu.vector_store %arg11[%swap3A_25, %swap3A_26], %broadcast_in_dim3A_24 {strides = array<i32>} : memref<64x512xf32, #tpu.memory_space<vmem>>, vector<64x512xf32>,
    } else {
    }
    %mul3A = arith.constant 1024 : i32
    %mul3A_2 = arith.muli %arg1, %mul3A : i32
    %get3A = arith.index_cast %arg0 : i32 to index
    %get3A_3 = memref.load %arg2[%get3A] : memref<16xi32, #tpu.memory_space<smem>>
    %le3A = arith.cmpi sle, %mul3A_2, %get3A_3 : i32
    %convert_element_type3A_4 = arith.extui %le3A : i1 to i32
    %cond3A_5 = arith.constant 0 : i32
    %cond3A_6 = arith.cmpi ne, %convert_element_type3A_4, %cond3A_5 : i32
    scf.if %cond3A_6 {
      %get3A_12 = arith.constant 0 : index
      %get3A_13 = arith.constant 0 : index
      %get3A_14 = arith.constant 0 : index
      %get3A_15 = vector.load %arg4[%get3A_12, %get3A_13, %get3A_14] : memref<1x64x1024xbf16, #tpu.memory_space<vmem>>, vector<1x64x1024xbf16>
      %get3A_16 = vector.shape_cast %get3A_15 : vector<1x64x1024xbf16> to vector<64x1024xbf16>
      %convert_element_type3A_17 = arith.extf %get3A_16 : vector<64x1024xbf16> to vector<64x1024xf32>
      %get3A_18 = arith.constant 0 : index
      %get3A_19 = arith.constant 0 : index
      %get3A_20 = arith.constant 0 : index
      %get3A_21 = vector.load %arg6[%get3A_18, %get3A_19, %get3A_20] : memref<1x1x1024xf32, #tpu.memory_space<vmem>>, vector<1x1x1024xf32>
      %get3A_22 = vector.shape_cast %get3A_21 : vector<1x1x1024xf32> to vector<1x1024xf32>
      %get3A_23 = arith.index_cast %arg0 : i32 to index
      %get3A_24 = memref.load %arg3[%get3A_23] : memref<16xf32, #tpu.memory_space<smem>>
      %ge3A = vector.broadcast %get3A_24 : f32 to vector<1x1024xf32>
      %ge3A_25 = arith.cmpf oge, %get3A_22, %ge3A : vector<1x1024xf32>
      %jit3A = arith.constant -1.000000e+30 : f32
      %broadcast_in_dim3A = vector.shape_cast %ge3A_25 : vector<1x1024xi1> to vector<1x1024xi1>
      %broadcast_in_dim3A_26 = vector.broadcast %broadcast_in_dim3A : vector<1x1024xi1> to vector<64x1024xi1>
      %broadcast_in_dim3A_27 = vector.broadcast %jit3A : f32 to vector<64x1024xf32>
      %select_n3A = arith.select %broadcast_in_dim3A_26, %convert_element_type3A_17, %broadcast_in_dim3A_27 : vector<64x1024xi1>, vector<64x1024xf32>
      %get3A_28 = arith.constant 0 : index
      %get3A_29 = arith.constant 0 : index
      %get3A_30 = vector.load %arg9[%get3A_28, %get3A_29] : memref<64x1xf32, #tpu.memory_space<vmem>>, vector<64x1xf32>
      %reduce_max3A = arith.constant dense<0xFF800000> : vector<64xf32>
      %reduce_max3A_31 = vector.multi_reduction <maximumf>, %select_n3A, %reduce_max3A [1] : vector<64x1024xf32> to vector<64xf32>
      %broadcast_in_dim3A_32 = vector.shape_cast %reduce_max3A_31 : vector<64xf32> to vector<64x1xf32>
      %max3A = arith.maximumf %get3A_30, %broadcast_in_dim3A_32 : vector<64x1xf32>
      %sub3A = arith.subf %get3A_30, %max3A : vector<64x1xf32>
      %exp3A = math.exp %sub3A : vector<64x1xf32>
      %sub3A_33 = vector.broadcast %max3A : vector<64x1xf32> to vector<64x1024xf32>
      %sub3A_34 = arith.subf %select_n3A, %sub3A_33 : vector<64x1024xf32>
      %exp3A_35 = math.exp %sub3A_34 : vector<64x1024xf32>
      %get3A_36 = arith.constant 0 : index
      %get3A_37 = arith.constant 0 : index
      %get3A_38 = vector.load %arg10[%get3A_36, %get3A_37] : memref<64x1xf32, #tpu.memory_space<vmem>>, vector<64x1xf32>
      %mul3A_39 = arith.mulf %get3A_38, %exp3A : vector<64x1xf32>
      %reduce_sum3A = arith.constant dense<0.000000e+00> : vector<64xf32>
      %reduce_sum3A_40 = vector.multi_reduction <add>, %exp3A_35, %reduce_sum3A [1] : vector<64x1024xf32> to vector<64xf32>
      %broadcast_in_dim3A_41 = vector.shape_cast %reduce_sum3A_40 : vector<64xf32> to vector<64x1xf32>
      %add3A = arith.addf %mul3A_39, %broadcast_in_dim3A_41 : vector<64x1xf32>
      %swap3A = arith.constant 0 : index
      %swap3A_42 = arith.constant 0 : index
      %swap3A_43 = vector.load %arg10[%swap3A, %swap3A_42] : memref<64x1xf32, #tpu.memory_space<vmem>>, vector<64x1xf32>
      tpu.vector_store %arg10[%swap3A, %swap3A_42], %add3A {strides = array<i32>} : memref<64x1xf32, #tpu.memory_space<vmem>>, vector<64x1xf32>,
      %get3A_44 = arith.constant 0 : index
      %get3A_45 = arith.constant 0 : index
      %get3A_46 = arith.constant 0 : index
      %get3A_47 = vector.load %arg5[%get3A_44, %get3A_45, %get3A_46] : memref<1x1024x576xf32, #tpu.memory_space<vmem>>, vector<1x1024x576xf32>
      %get3A_48 = vector.shape_cast %get3A_47 : vector<1x1024x576xf32> to vector<1024x576xf32>
      %slice3A = vector.extract_strided_slice %get3A_48 {offsets = [0, 0], sizes = [1024, 512], strides = [1, 1]} : vector<1024x576xf32> to vector<1024x512xf32>
      %convert_element_type3A_49 = arith.truncf %slice3A : vector<1024x512xf32> to vector<1024x512xbf16>
      %convert_element_type3A_50 = arith.truncf %exp3A_35 : vector<64x1024xf32> to vector<64x1024xbf16>
      %dot_general3A = arith.constant dense<0.000000e+00> : vector<64x512xf32>
      %dot_general3A_51 = tpu.matmul %convert_element_type3A_50, %convert_element_type3A_49, %dot_general3A {dimension_numbers = #tpu.dot_dimension_numbers<[1], [0], [0], [1], [0, 0, 1, 1], [], []>, transpose_lhs_hint = false} : vector<64x1024xbf16>, vector<1024x512xbf16>, vector<64x512xf32> -> vector<64x512xf32>
      %get3A_52 = arith.constant 0 : index
      %get3A_53 = arith.constant 0 : index
      %get3A_54 = vector.load %arg11[%get3A_52, %get3A_53] : memref<64x512xf32, #tpu.memory_space<vmem>>, vector<64x512xf32>
      %mul3A_55 = vector.broadcast %exp3A : vector<64x1xf32> to vector<64x512xf32>
      %mul3A_56 = arith.mulf %get3A_54, %mul3A_55 : vector<64x512xf32>
      %add3A_57 = arith.addf %mul3A_56, %dot_general3A_51 : vector<64x512xf32>
      %swap3A_58 = arith.constant 0 : index
      %swap3A_59 = arith.constant 0 : index
      %swap3A_60 = vector.load %arg11[%swap3A_58, %swap3A_59] : memref<64x512xf32, #tpu.memory_space<vmem>>, vector<64x512xf32>
      tpu.vector_store %arg11[%swap3A_58, %swap3A_59], %add3A_57 {strides = array<i32>} : memref<64x512xf32, #tpu.memory_space<vmem>>, vector<64x512xf32>,
      %swap3A_61 = arith.constant 0 : index
      %swap3A_62 = arith.constant 0 : index
      %swap3A_63 = vector.load %arg9[%swap3A_61, %swap3A_62] : memref<64x1xf32, #tpu.memory_space<vmem>>, vector<64x1xf32>
      tpu.vector_store %arg9[%swap3A_61, %swap3A_62], %max3A {strides = array<i32>} : memref<64x1xf32, #tpu.memory_space<vmem>>, vector<64x1xf32>,
    } else {
    }
    %eq3A_7 = arith.constant 3 : i32
    %eq3A_8 = arith.cmpi eq, %arg1, %eq3A_7 : i32
    %convert_element_type3A_9 = arith.extui %eq3A_8 : i1 to i32
    %cond3A_10 = arith.constant 0 : i32
    %cond3A_11 = arith.cmpi ne, %convert_element_type3A_9, %cond3A_10 : i32
    scf.if %cond3A_11 {
      %get3A_12 = arith.constant 0 : index
      %get3A_13 = arith.constant 0 : index
      %get3A_14 = vector.load %arg11[%get3A_12, %get3A_13] : memref<64x512xf32, #tpu.memory_space<vmem>>, vector<64x512xf32>
      %get3A_15 = arith.constant 0 : index
      %get3A_16 = arith.constant 0 : index
      %get3A_17 = vector.load %arg10[%get3A_15, %get3A_16] : memref<64x1xf32, #tpu.memory_space<vmem>>, vector<64x1xf32>
      %div3A = vector.broadcast %get3A_17 : vector<64x1xf32> to vector<64x512xf32>
      %div3A_18 = arith.divf %get3A_14, %div3A : vector<64x512xf32>
      %swap3A = arith.constant 0 : index
      %swap3A_19 = arith.constant 0 : index
      %swap3A_20 = arith.constant 0 : index
      %swap3A_21 = vector.load %arg8[%swap3A, %swap3A_19, %swap3A_20] : memref<1x64x512xf32, #tpu.memory_space<vmem>>, vector<1x64x512xf32>
      %swap3A_22 = vector.shape_cast %swap3A_21 : vector<1x64x512xf32> to vector<64x512xf32>
      %swap3A_23 = vector.shape_cast %div3A_18 : vector<64x512xf32> to vector<1x64x512xf32>
      tpu.vector_store %arg8[%swap3A, %swap3A_19, %swap3A_20], %swap3A_23 {strides = array<i32>} : memref<1x64x512xf32, #tpu.memory_space<vmem>>, vector<1x64x512xf32>,
    } else {
    }
    return
  }
  func.func @transform_0(%arg0: i32, %arg1: i32, %arg2: memref<16xi32, #tpu.memory_space<smem>>) -> i32 {
    %c0_i32 = arith.constant 0 : i32
    %c0_i32_0 = arith.constant 0 : i32
    return %c0_i32 : i32
  }
  func.func @transform_1(%arg0: i32, %arg1: i32, %arg2: memref<16xi32, #tpu.memory_space<smem>>) -> (i32, i32, i32) {
    %get3A = arith.index_cast %arg0 : i32 to index
    %get3A_0 = memref.load %arg2[%get3A] : memref<16xi32, #tpu.memory_space<smem>>
    %jit3A = arith.constant 1024 : i32
    %div3A = arith.divsi %get3A_0, %jit3A : i32
    %sign3A = arith.constant 0 : i32
    %sign3A_1 = arith.cmpi sgt, %get3A_0, %sign3A : i32
    %sign3A_2 = arith.extui %sign3A_1 : i1 to i32
    %sign3A_3 = arith.constant 0 : i32
    %sign3A_4 = arith.cmpi slt, %get3A_0, %sign3A_3 : i32
    %sign3A_5 = arith.extui %sign3A_4 : i1 to i32
    %sign3A_6 = arith.subi %sign3A_2, %sign3A_5 : i32
    %sign3A_7 = arith.constant 0 : i32
    %sign3A_8 = arith.cmpi sgt, %jit3A, %sign3A_7 : i32
    %sign3A_9 = arith.extui %sign3A_8 : i1 to i32
    %sign3A_10 = arith.constant 0 : i32
    %sign3A_11 = arith.cmpi slt, %jit3A, %sign3A_10 : i32
    %sign3A_12 = arith.extui %sign3A_11 : i1 to i32
    %sign3A_13 = arith.subi %sign3A_9, %sign3A_12 : i32
    %ne3A = arith.cmpi ne, %sign3A_6, %sign3A_13 : i32
    %rem3A = arith.remsi %get3A_0, %jit3A : i32
    %ne3A_14 = arith.constant 0 : i32
    %ne3A_15 = arith.cmpi ne, %rem3A, %ne3A_14 : i32
    %and3A = arith.andi %ne3A, %ne3A_15 : i1
    %sub3A = arith.constant 1 : i32
    %sub3A_16 = arith.subi %div3A, %sub3A : i32
    %select_n3A = arith.select %and3A, %sub3A_16, %div3A : i32
    %min3A = arith.minsi %arg1, %select_n3A : i32
    %c0_i32 = arith.constant 0 : i32
    %c0_i32_17 = arith.constant 0 : i32
    return %arg0, %c0_i32, %min3A : i32, i32, i32
  }
  func.func @transform_2(%arg0: i32, %arg1: i32, %arg2: memref<16xi32, #tpu.memory_space<smem>>) -> (i32, i32, i32) {
    %get3A = arith.index_cast %arg0 : i32 to index
    %get3A_0 = memref.load %arg2[%get3A] : memref<16xi32, #tpu.memory_space<smem>>
    %jit3A = arith.constant 1024 : i32
    %div3A = arith.divsi %get3A_0, %jit3A : i32
    %sign3A = arith.constant 0 : i32
    %sign3A_1 = arith.cmpi sgt, %get3A_0, %sign3A : i32
    %sign3A_2 = arith.extui %sign3A_1 : i1 to i32
    %sign3A_3 = arith.constant 0 : i32
    %sign3A_4 = arith.cmpi slt, %get3A_0, %sign3A_3 : i32
    %sign3A_5 = arith.extui %sign3A_4 : i1 to i32
    %sign3A_6 = arith.subi %sign3A_2, %sign3A_5 : i32
    %sign3A_7 = arith.constant 0 : i32
    %sign3A_8 = arith.cmpi sgt, %jit3A, %sign3A_7 : i32
    %sign3A_9 = arith.extui %sign3A_8 : i1 to i32
    %sign3A_10 = arith.constant 0 : i32
    %sign3A_11 = arith.cmpi slt, %jit3A, %sign3A_10 : i32
    %sign3A_12 = arith.extui %sign3A_11 : i1 to i32
    %sign3A_13 = arith.subi %sign3A_9, %sign3A_12 : i32
    %ne3A = arith.cmpi ne, %sign3A_6, %sign3A_13 : i32
    %rem3A = arith.remsi %get3A_0, %jit3A : i32
    %ne3A_14 = arith.constant 0 : i32
    %ne3A_15 = arith.cmpi ne, %rem3A, %ne3A_14 : i32
    %and3A = arith.andi %ne3A, %ne3A_15 : i1
    %sub3A = arith.constant 1 : i32
    %sub3A_16 = arith.subi %div3A, %sub3A : i32
    %select_n3A = arith.select %and3A, %sub3A_16, %div3A : i32
    %min3A = arith.minsi %arg1, %select_n3A : i32
    %c0_i32 = arith.constant 0 : i32
    %c0_i32_17 = arith.constant 0 : i32
    return %arg0, %min3A, %c0_i32 : i32, i32, i32
  }
  func.func @transform_3(%arg0: i32, %arg1: i32, %arg2: memref<16xi32, #tpu.memory_space<smem>>) -> (i32, i32, i32) {
    %c0_i32 = arith.constant 0 : i32
    %c0_i32_0 = arith.constant 0 : i32
    return %arg0, %c0_i32, %arg1 : i32, i32, i32
  }
  func.func @transform_4(%arg0: i32, %arg1: i32, %arg2: memref<16xi32, #tpu.memory_space<smem>>) -> (i32, i32) {
    %c0_i32 = arith.constant 0 : i32
    %c0_i32_0 = arith.constant 0 : i32
    %c0_i32_1 = arith.constant 0 : i32
    return %c0_i32, %c0_i32_0 : i32, i32
  }
  func.func @transform_5(%arg0: i32, %arg1: i32, %arg2: memref<16xi32, #tpu.memory_space<smem>>) -> (i32, i32, i32) {
    %c0_i32 = arith.constant 0 : i32
    %c0_i32_0 = arith.constant 0 : i32
    %c0_i32_1 = arith.constant 0 : i32
    return %arg0, %c0_i32, %c0_i32_0 : i32, i32, i32
  }
}

</mosaic_0001>

<sc_bundles>
// kernel: kernel.5.cloned.1.call-start
scs
__scs_entry_jumppad:
0x0: {  	(pc) =	sbr.rel $0x88, $3  }
0x1: {  	(tag) =	ssettag $0x0;
	lr =	simm.s32 $0x1  }
0x2: {  	[smem:$0x3F9D] =	sst lr;
	_ =	strace $0xD0000000  }
0x3: {  	_ = 	snop  }
0x4: {  	_ = 	snop  }
0x5: {  	_ = 	snop  }
0x6: {  	_ = 	snop  }
0x7: {  	_ = 	snop  }
__scs_overlays_trampoline_lowered:
0x8: {  	[smem:$0x3FAC] =	sst s0  }
0x9: {  	[smem:$0x3FAD] =	sst s1  }
0xa: {  	[smem:$0x3FAE] =	sst s2  }
0xb: {  	[smem:$0x3FAF] =	sst s3  }
0xc: {  	[smem:$0x3FB0] =	sst s4  }
0xd: {  	[smem:$0x3FB1] =	sst s5  }
0xe: {  	[smem:$0x3FB2] =	sst s6  }
0xf: {  	[smem:$0x3FB3] =	sst s7  }
0x10: {  	[smem:$0x3FB4] =	sst s8  }
0x11: {  	[smem:$0x3FB5] =	sst s9;
	s0 =	simm.s32 @!p0 $0x0  }
0x12: {  	s1 =	sld [smem:$0x3F9B];
	s0 =	simm.s32 @p0 $0x1  }
0x13: {  	[smem:$0x3FB6] =	sst s0;
	s0 =	simm.s32 @!p1 $0x0  }
0x14: {  	s2 =	sld [smem:$0x3F9A];
	s0 =	simm.s32 @p1 $0x1  }
0x15: {  	[smem:$0x3FB7] =	sst s0;
	s0 =	simm.s32 @!p2 $0x0  }
0x16: {  	s3 =	sld [smem:$0x3FDB];
	s0 =	simm.s32 @p2 $0x1  }
0x17: {  	s4 =	simm.s32 $0x1BF5;
	[smem:$0x3FB9] =	sst s0  }
0x18: {  	s0 =	sld [smem:$0x3F9C];
	_ =	swait.ge [sflag:s4], $0x0  }
0x19: {  	s7 =	sld [smem:$0x3F9D]  }
0x1a: {  	s8 =	sadd.s32 $0xFFFFE003, lr  }
0x1b: {  	s9 =	sadd.s32 $0xFFFFFEF7, lr;
	s5 =	simm.s32 $0xFFFFFFFF;
	p2 =	slt.u32 s8, $0xFFFFF086  }
0x1c: {  	p1 =	slt.u32 s9, $0xF7A;
	s5 =	simm.s32 @!p2 $0x0  }
0x1d: {  	s5 =	simm.s32 @p1 $0x1;
	p0 =	seq.s32 s7, s2  }
0x1e: {  	s7 =	smul.u32 @!p0 $0xF7A, s2;
	p2 =	seq.s32 @!p0 s5, $0x0  }
0x1f: {  	s9 =	smul.u32 $0xF7A, s1;
	s8 =	simm.s32 @!p0 $0x1BF5;
	p2 =	por !p2, p0  }
0x20: {  	[sflag:s8] =	ssyncset.s32 @!p0 $0xFFFFF086;
	s6 =	sadd.s32 @!p0 s3, s7;
	s7 =	simm.s32 @!p0 $0x108  }
0x21: {  	s3 =	sadd.s32 s3, s9;
	s6 =	sadd.s32 @!p0 $0x88, s6;
	s7 =	simm.s32 @p2 $0x1082  }
0x22: {  	[simem:s7], [sflag:s8] =	dma.local @!p0 [hbm:s6], $0xF7A  }
0x23: {  	s9 =	sor.u32 $0xD0000000, s2;
	s6 =	simm.s32 $0x108;
	_ =	swait.ge @!p0 [sflag:s8], $0x0  }
0x24: {  	s3 =	sadd.s32 $0x88, s3;
	s6 =	simm.s32 @!p1 $0x1082;
	[sflag:s4] =	ssyncset.s32 $0xFFFFF086  }
0x25: {  	[simem:s6], [sflag:s4] =	dma.local [hbm:s3], $0xF7A  }
0x26: {  	[smem:$0x3F9D] =	sst s1;
	(tag) =	ssettag s2;
	_ =	strace s9  }
0x27: {  	s1 =	sld [smem:$0x3FAD]  }
0x28: {  	s2 =	sld [smem:$0x3FAE]  }
0x29: {  	s4 =	sld [smem:$0x3FB0]  }
0x2a: {  	p0 =	seq.s32 s5, $0x0;
	s5 =	sld [smem:$0x3FB1]  }
0x2b: {  	s6 =	sld [smem:$0x3FB2]  }
0x2c: {  	s7 =	sld [smem:$0x3FB3]  }
0x2d: {  	s3 =	simm.s32 $0x108;
	s8 =	sld [smem:$0x3FB4]  }
0x2e: {  	s3 =	simm.s32 @!p0 $0x1082;
	s9 =	sld [smem:$0x3FB5]  }
0x2f: {  	lr =	sadd.s32 s0, s3;
	s0 =	sld [smem:$0x3FAC]  }
0x30: {  	s3 =	sld [smem:$0x3FAF]  }
0x31: {  	[smem:$0x3FB8] =	sst s10  }
0x32: {  	s10 =	sld [smem:$0x3FB6];
	_ =	sdelay $0x3  }
0x33: {  	p0 =	seq.s32 s10, $0x1;
	s10 =	sld [smem:$0x3FB8];
	_ =	sdelay $0x3  }
0x34: {  	[smem:$0x3FB8] =	sst s10  }
0x35: {  	s10 =	sld [smem:$0x3FB7];
	_ =	sdelay $0x3  }
0x36: {  	p1 =	seq.s32 s10, $0x1;
	s10 =	sld [smem:$0x3FB8];
	_ =	sdelay $0x3  }
0x37: {  	[smem:$0x3FB8] =	sst s10  }
0x38: {  	s10 =	sld [smem:$0x3FB9]  }
0x39: {  	_ = 	snop;
	(pc) =	sbr.ind lr, $3  }
0x3a: {  	_ = 	snop  }
0x3b: {  	_ = 	snop  }
0x3c: {  	p2 =	seq.s32 s10, $0x1;
	s10 =	sld [smem:$0x3FB8]  }
0x3d: {  	_ =	shalt  }
0x3e: {  	_ =	shalt  }
0x3f: {  	_ =	shalt  }
0x40: {  	_ =	shalt  }
0x41: {  	_ =	shalt  }
0x42: {  	_ =	shalt  }
0x43: {  	_ =	shalt  }
0x44: {  	_ =	shalt  }
0x45: {  	_ =	shalt  }
0x46: {  	_ =	shalt  }
0x47: {  	_ =	shalt  }
0x48: {  	_ =	shalt  }
0x49: {  	_ =	shalt  }
0x4a: {  	_ =	shalt  }
0x4b: {  	_ =	shalt  }
0x4c: {  	_ =	shalt  }
0x4d: {  	_ =	shalt  }
0x4e: {  	_ =	shalt  }
0x4f: {  	_ =	shalt  }
0x50: {  	_ =	shalt  }
0x51: {  	_ =	shalt  }
0x52: {  	_ =	shalt  }
0x53: {  	_ =	shalt  }
0x54: {  	_ =	shalt  }
0x55: {  	_ =	shalt  }
0x56: {  	_ =	shalt  }
0x57: {  	_ =	shalt  }
0x58: {  	_ =	shalt  }
0x59: {  	_ =	shalt  }
0x5a: {  	_ =	shalt  }
0x5b: {  	_ =	shalt  }
0x5c: {  	_ =	shalt  }
0x5d: {  	_ =	shalt  }
0x5e: {  	_ =	shalt  }
0x5f: {  	_ =	shalt  }
0x60: {  	_ =	shalt  }
0x61: {  	_ =	shalt  }
0x62: {  	_ =	shalt  }
0x63: {  	_ =	shalt  }
0x64: {  	_ =	shalt  }
0x65: {  	_ =	shalt  }
0x66: {  	_ =	shalt  }
0x67: {  	_ =	shalt  }
0x68: {  	_ =	shalt  }
0x69: {  	_ =	shalt  }
0x6a: {  	_ =	shalt  }
0x6b: {  	_ =	shalt  }
0x6c: {  	_ =	shalt  }
0x6d: {  	_ =	shalt  }
0x6e: {  	_ =	shalt  }
0x6f: {  	_ =	shalt  }
0x70: {  	_ =	shalt  }
0x71: {  	_ =	shalt  }
0x72: {  	_ =	shalt  }
0x73: {  	_ =	shalt  }
0x74: {  	_ =	shalt  }
0x75: {  	_ =	shalt  }
0x76: {  	_ =	shalt  }
0x77: {  	_ =	shalt  }
0x78: {  	_ =	shalt  }
0x79: {  	_ =	shalt  }
0x7a: {  	_ =	shalt  }
0x7b: {  	_ =	shalt  }
0x7c: {  	_ =	shalt  }
0x7d: {  	_ =	shalt  }
0x7e: {  	_ =	shalt  }
0x7f: {  	_ =	shalt  }
0x80: {  	_ =	shalt  }
0x81: {  	_ =	shalt  }
0x82: {  	_ =	shalt  }
0x83: {  	_ =	shalt  }
0x84: {  	_ =	shalt  }
0x85: {  	_ =	shalt  }
0x86: {  	_ =	shalt  }
0x87: {  	_ =	shalt  }
.Lfunc_end0:
.L_simem_size_0:
called_computation_lowered:
.L_overlay_start_0:
0x88: {  	s2 =	sld [smem:$0x3FD9]  }
0x89: {  	s3 =	sld [smem:$0x3FFE];
	_ =	sdelay $0x1  }
0x8a: {  	s1 =	srdreg.scid  }
0x8b: {  	s0 =	sand.u32 $0x1, s1  }
0x8c: {  	s17 =	sshll.u32 s0, $0xA;
	s2 =	sadd.s32 s3, s2  }
0x8d: {  	s2 =	sadd.s32 s2, s17  }
0x8e: {  	[smem:$0x3FC4] =	sst s2  }
0x8f: {  	_ = 	snop  }
0x90: {  	s2 =	sld [smem:$0x3FD0];
	(tm) =	ssettm $0x1  }
0x91: {  	s18 =	sld [smem:$0x3FFB];
	_ =	sdelay $0x3  }
0x92: {  	_ =	strace s18  }
0x93: {  	s3 =	sld [smem:$0x3FFC];
	_ =	sdelay $0x3  }
0x94: {  	_ =	strace s3  }
0x95: {  	s3 =	sld [smem:$0x3FFD];
	_ =	sdelay $0x3  }
0x96: {  	_ =	strace s3  }
0x97: {  	_ =	strace $0x8FFFFFFF  }
0x98: {  	s19 =	sld [smem:$0x3FDB];
	_ =	sdelay $0x1  }
0x99: {  	s4 =	simm.s32 $_scs_section_size  }
0x9a: {  	s5 =	simm.s32 $_size__tile_overlayer_lowered;
	s6 =	simm.s32 $_tile_overlayer_lowered  }
0x9b: {  	s22 =	simm.s32 $0x1BFF;
	s21 =	sshll.u32 s6, $0x1;
	s3 =	sadd.s32 s4, s19  }
0x9c: {  	s7 =	simm.s32 $0x0;
	s20 =	sshll.u32 s5, $0x1;
	s5 =	sadd.s32 s21, s3  }
0x9d: {  	[timem:s7], [sflag:s22] =	dma.local [hbm:s5], s20  }
0x9e: {  	_ =	swait.ge [sflag:s22], s20  }
0x9f: {  	s4 =	ssub.s32 $0x0, s20;
	[sflag:s22] =	ssyncset.done $0x0  }
0xa0: {  	[sflag:s22] =	ssyncadd.s32 s4;
	_ =	sdelay $0x1  }
0xa1: {  	s23 =	simm.s32 $0x1B8B  }
0xa2: {  	_ =	swait.ge [sflag:s23], $0x1  }
0xa3: {  	[sflag:s23] =	ssyncset.done $0x0  }
0xa4: {  	s25 =	simm.s32 $0x1B8E;
	s24 =	sld [smem:$0x3FFE];
	[sflag:s23] =	ssyncadd.s32 $0xFFFFFFFF  }
0xa5: {  	s26 =	simm.s32 $execute0_lowered;
	[smem:$0x3FD2] =	sst s25  }
0xa6: {  	s5 =	sshll.u32 s26, $0x1;
	_ =	strace $0x80000046;
	[dreg:$0x1] =	wrdreg $0xFFFFFFFF  }
0xa7: {  	s28 =	simm.s32 $_size_execute0_lowered;
	s3 =	sadd.s32 s3, s5;
	[dreg:$0x0] =	wrdreg $0x0  }
0xa8: {  	s5 =	sshll.u32 s28, $0x1;
	[dreg:$0x2] =	wrdreg s3  }
0xa9: {  	[dreg:$0x3] =	wrdreg s5  }
0xaa: {  	[dreg:$0x4] =	wrdreg $0xC0  }
0xab: {  	_ =	task [dreg:s7], $0x5FFFF  }
0xac: {  	[dreg:$0x1] =	wrdreg $0xFFFFFFFF  }
0xad: {  	[dreg:$0x0] =	wrdreg $0x60  }
0xae: {  	[dreg:$0x2] =	wrdreg s2  }
0xaf: {  	[dreg:$0x3] =	wrdreg s24  }
0xb0: {  	[dreg:$0x4] =	wrdreg $0x9  }
0xb1: {  	_ =	task.clear_ibuf [dreg:s7], $0x5FFFF;
	_ =	strace $0x90000046  }
0xb2: {  	s29 =	simm.s32 $0x9;
	_ =	strace $0x80000048  }
0xb3: {  	_ =	swait.ge [sflag:s29], $0x1  }
0xb4: {  	[sflag:s29] =	ssyncadd.s32 $0xFFFFFFFF  }
0xb5: {  	_ =	strace $0x90000048  }
0xb6: {  	_ =	sfence  }
0xb7: {  	s30 =	sld [smem:$0x0];
	_ =	sdelay $0x2  }
0xb8: {  	s31 =	sshll.u32 s1, $0xD;
	s1 =	sshrl.u32 s1, $0x2  }
0xb9: {  	s3 =	sand.u32 $0x4000, s31;
	s1 =	sadd.s32 s1, s30  }
0xba: {  	s0 =	sor.u32 s3, s0;
	s1 =	sshll.u32 s1, $0x11  }
0xbb: {  	s0 =	sor.u32 s1, s0  }
0xbc: {  	s0 =	sadd.s32 $0x8F2B, s0  }
0xbd: {  	[sflag:s0] =	ssyncadd.remote.s32 $0x1  }
0xbe: {  	_ =	sfence.sel $0xFFFF  }
0xbf: {  	[dreg:$0x0] =	wrdreg $0xFFFFFFFF;
	(pc) =	sbr.abs _section_cstart, $3  }
0xc0: {  	[dreg:$0x1] =	wrdreg $0xFFFFFFFF  }
0xc1: {  	_ =	task.clear_ibuf [dreg:s7], $0x2FFFF;
	_ =	strace $0x9FFFFFFF  }
0xc2: {  	(tm) =	ssettm $0x7FFFFFFF  }
0xc3: {  	_ =	shalt  }
tec
execute0_lowered:
.L_overlay_start_1:
0x0: {  	(tag) =	ssettag $0x1  }
0x1: {  	s1 =	stileid.u32  }
0x2: {  	p0 =	sgt.u32 s1, $0x7  }
.Ltmp0:
0x3: {  	_ = 	snop;
	(pc) =	sbr.rel @p0 .LBB2_11-.Ltmp0, $4  }
0x4: {  	s4 =	rddreg [dreg:$0x0]  }
0x5: {  	s3 =	rddreg [dreg:$0x1];
	s2 =	simm.s32 $0x0  }
0x6: {  	[smem:$0x7FF] =	sst s2  }
0x7: {  	s0 =	rddreg [dreg:$0x2];
	_ =	strace $0x80000047  }
0x8: {  	s5 =	srdreg.scid;
	s6 =	sshll.u32 s1, $0x8;
	s7 =	sshrl.u32 s1, $0x2  }
0x9: {  	s10 =	simm.s32 $0x2000;
	s11 =	simm.s32 $0x0;
	s5 =	sand.u32 $0x1, s5  }
0xa: {  	s17 =	simm.s32 $0x0;
	s6 =	sand.u32 $0x300, s6;
	s8 =	sshll.u32 s5, $0x7  }
0xb: {  	s31 =	sshll.u32 s7, $0xA;
	s5 =	ssub.s32 $0x2, s5;
	s6 =	sor.u32 s8, s6  }
0xc: {  	s7 =	sshll.u32 s7, $0xF;
	s9 =	sshrl.u32 s5, $0x1;
	s8 =	sor.u32 s31, s6  }
0xd: {  	s6 =	sor.u32 s7, s6;
	s5 =	ssub.s32 s5, s9;
	s7 =	simm.s32 $0x400  }
0xe: {  	s9 =	simm.s32 $0x40000000;
	s8 =	sshrl.u32 s8, $0x3;
	s6 =	sshrl.u32 s6, $0x3  }
0xf: {  	s5 =	smax.u32 s5, $0x1;
	s3 =	sadd.s32 s8, s3;
	s4 =	sadd.s32 s4, s6  }
0x10: {  	v0 =	vimm.s32 $0x0;
	s6 =	simm.s32 $0x80;
	s8 =	simm.s32 $0x1;
	s3 =	sadd.s32 $0x500800, s3  }
.LBB2_2:
0x11: {  	s12 =	simm.s32 $0x0  }
0x12: {  	[tilespmem:s12], [sflag:$0x1] =	stream.strided.gather [hbm4b:s4+s6], $0x1000, s7, s6, $0x38;
	[tilespmem:$0x2080] =	vst v63  }
0x13: {  	_ =	swait.ge [sflag:s8], $0x1000  }
0x14: {  	[sflag:s8] =	ssyncset.done $0x0  }
0x15: {  	s12 =	simm.s32 $0x0;
	[sflag:s8] =	ssyncadd.s32 $0xFFFFF000  }
0x16: {  	v4 =	vld [tilespmem:s12+$0x70]  }
0x17: {  	v7 =	vld [tilespmem:s12+$0x0]  }
0x18: {  	v6 =	vld [tilespmem:s12+$0x10]  }
0x19: {  	v5 =	vld [tilespmem:s12+$0x20]  }
0x1a: {  	v3 =	vld [tilespmem:s12+$0x30]  }
0x1b: {  	v1 =	vld [tilespmem:s12+$0x40];
	vm0 =	vlt.s32 v4, $0x0;
	v8 =	vxor.u32 $0x7FFFFFFF, v4  }
0x1c: {  	v2 =	vld [tilespmem:s12+$0x50];
	vm1 =	vlt.s32 v7, $0x0;
	v9 =	vxor.u32 $0x7FFFFFFF, v7;
	v10 =	vsel vm0, v8, v4  }
0x1d: {  	s13 =	simm.s32 $0x80;
	s15 =	simm.s32 $0x400;
	s14 =	simm.s32 $0x0;
	v7 =	vsel vm1, v9, v7;
	vm0 =	vlt.s32 v6, $0x0;
	v8 =	vxor.u32 $0x7FFFFFFF, v6;
	v4 =	vld [tilespmem:s12+$0x60];
	[tilespmem:s12+$0x1070] =	vst v10  }
.LBB2_3:
0x1e: {  	p0 =	sne.s32 s15, $0x3E00;
	v9 =	vld [tilespmem:s13+$0x70];
	[tilespmem:s14+$0x1000] =	vst v7;
	v6 =	vsel vm0, v8, v6;
	vm0 =	vlt.s32 v5, $0x0;
	v7 =	vxor.u32 $0x7FFFFFFF, v5  }
0x1f: {  	v8 =	vld [tilespmem:s13+$0x0];
	[tilespmem:s14+$0x1010] =	vst v6;
	v5 =	vsel vm0, v7, v5;
	vm0 =	vlt.s32 v3, $0x0;
	v7 =	vxor.u32 $0x7FFFFFFF, v3  }
0x20: {  	v6 =	vld [tilespmem:s13+$0x10];
	[tilespmem:s14+$0x1020] =	vst v5;
	v3 =	vsel vm0, v7, v3;
	vm0 =	vlt.s32 v1, $0x0;
	v7 =	vxor.u32 $0x7FFFFFFF, v1  }
.Ltmp1:
0x21: {  	v5 =	vld [tilespmem:s13+$0x20];
	[tilespmem:s14+$0x1030] =	vst v3;
	v1 =	vsel vm0, v7, v1;
	vm0 =	vlt.s32 v2, $0x0;
	v7 =	vxor.u32 $0x7FFFFFFF, v2;
	(pc) =	sbr.rel @p0 .LBB2_3-.Ltmp1, $4  }
0x22: {  	v3 =	vld [tilespmem:s13+$0x30];
	[tilespmem:s14+$0x1040] =	vst v1;
	v2 =	vsel vm0, v7, v2;
	vm0 =	vlt.s32 v4, $0x0;
	v7 =	vxor.u32 $0x7FFFFFFF, v4  }
0x23: {  	v1 =	vld [tilespmem:s13+$0x40];
	vm1 =	vlt.s32 v9, $0x0;
	v10 =	vxor.u32 $0x7FFFFFFF, v9;
	[tilespmem:s14+$0x1050] =	vst v2;
	v4 =	vsel vm0, v7, v4  }
0x24: {  	vm0 =	vlt.s32 v8, $0x0;
	v7 =	vxor.u32 $0x7FFFFFFF, v8;
	v2 =	vld [tilespmem:s13+$0x50];
	v9 =	vsel vm1, v10, v9;
	[tilespmem:s14+$0x1060] =	vst v4;
	s14 =	smov.u32 s13  }
0x25: {  	s13 =	sshra.s32 s15, $0x2;
	s15 =	sadd.s32 $0x200, s15;
	v7 =	vsel vm0, v7, v8;
	vm0 =	vlt.s32 v6, $0x0;
	v8 =	vxor.u32 $0x7FFFFFFF, v6;
	v4 =	vld [tilespmem:s14+$0x60];
	[tilespmem:s14+$0x1070] =	vst v9  }
0x26: {  	v9 =	vld [tilespmem:s13+$0x70];
	[tilespmem:s14+$0x1000] =	vst v7;
	v6 =	vsel vm0, v8, v6;
	vm0 =	vlt.s32 v5, $0x0;
	v8 =	vxor.u32 $0x7FFFFFFF, v5  }
0x27: {  	v7 =	vld [tilespmem:s13+$0x0];
	[tilespmem:s14+$0x1010] =	vst v6;
	v5 =	vsel vm0, v8, v5;
	vm0 =	vlt.s32 v3, $0x0;
	v8 =	vxor.u32 $0x7FFFFFFF, v3  }
0x28: {  	v6 =	vld [tilespmem:s13+$0x10];
	[tilespmem:s14+$0x1020] =	vst v5;
	v3 =	vsel vm0, v8, v3;
	vm0 =	vlt.s32 v1, $0x0;
	v8 =	vxor.u32 $0x7FFFFFFF, v1  }
0x29: {  	v5 =	vld [tilespmem:s13+$0x20];
	[tilespmem:s14+$0x1030] =	vst v3;
	v1 =	vsel vm0, v8, v1;
	vm0 =	vlt.s32 v2, $0x0;
	v8 =	vxor.u32 $0x7FFFFFFF, v2  }
0x2a: {  	v3 =	vld [tilespmem:s13+$0x30];
	[tilespmem:s14+$0x1040] =	vst v1;
	v1 =	vsel vm0, v8, v2;
	vm0 =	vlt.s32 v4, $0x0;
	v8 =	vxor.u32 $0x7FFFFFFF, v4  }
0x2b: {  	v2 =	vld [tilespmem:s13+$0x40];
	[tilespmem:s14+$0x1050] =	vst v1;
	v1 =	vsel vm0, v8, v4;
	vm0 =	vlt.s32 v9, $0x0;
	v8 =	vxor.u32 $0x7FFFFFFF, v9  }
0x2c: {  	v4 =	vld [tilespmem:s13+$0x50];
	[tilespmem:s14+$0x1060] =	vst v1;
	vm1 =	vlt.s32 v7, $0x0;
	v1 =	vxor.u32 $0x7FFFFFFF, v7;
	v8 =	vsel vm0, v8, v9  }
0x2d: {  	v63 =	vld [tilespmem:s13+$0x60];
	v1 =	vsel vm1, v1, v7;
	vm0 =	vlt.s32 v6, $0x0;
	v7 =	vxor.u32 $0x7FFFFFFF, v6;
	[tilespmem:s13+$0x1070] =	vst v8  }
0x2e: {  	[tilespmem:s13+$0x1000] =	vst v1;
	v1 =	vsel vm0, v7, v6;
	vm0 =	vlt.s32 v5, $0x0;
	v6 =	vxor.u32 $0x7FFFFFFF, v5  }
0x2f: {  	[tilespmem:s13+$0x1010] =	vst v1;
	v1 =	vsel vm0, v6, v5;
	vm0 =	vlt.s32 v3, $0x0;
	v5 =	vxor.u32 $0x7FFFFFFF, v3  }
0x30: {  	[tilespmem:s13+$0x1020] =	vst v1;
	v1 =	vsel vm0, v5, v3;
	vm0 =	vlt.s32 v2, $0x0;
	v3 =	vxor.u32 $0x7FFFFFFF, v2  }
0x31: {  	[tilespmem:s13+$0x1030] =	vst v1;
	v1 =	vsel vm0, v3, v2;
	vm0 =	vlt.s32 v4, $0x0;
	v2 =	vxor.u32 $0x7FFFFFFF, v4  }
0x32: {  	[tilespmem:s13+$0x1040] =	vst v1;
	v1 =	vsel vm0, v2, v4;
	vm0 =	vlt.s32 v63, $0x0;
	v2 =	vxor.u32 $0x7FFFFFFF, v63  }
0x33: {  	[tilespmem:s13+$0x1050] =	vst v1;
	v1 =	vsel vm0, v2, v63  }
0x34: {  	[tilespmem:s13+$0x1060] =	vst v1  }
0x35: {  	v1 =	vld [tilespmem:s12+$0x1000]  }
0x36: {  	v3 =	vld [tilespmem:s12+$0x1010]  }
0x37: {  	v5 =	vld [tilespmem:s12+$0x1020]  }
0x38: {  	v4 =	vld [tilespmem:s12+$0x1030]  }
0x39: {  	v2 =	vld [tilespmem:s12+$0x1040]  }
0x3a: {  	vm0 =	vgt.s32 v1, $0xFFFFFFFF;
	v1 =	vld [tilespmem:s12+$0x1050]  }
0x3b: {  	v6 =	vimm.s32 $0x0;
	v7 =	vsel vm0, $0x1, v0;
	vm0 =	vgt.s32 v3, $0xFFFFFFFF;
	v3 =	vld [tilespmem:s12+$0x1060]  }
0x3c: {  	s14 =	simm.s32 $0x400;
	s13 =	simm.s32 $0x80;
	v6 =	vadd.s32 v7, v6;
	v7 =	vsel vm0, $0x1, v0;
	vm0 =	vgt.s32 v5, $0xFFFFFFFF;
	v5 =	vld [tilespmem:s12+$0x1070]  }
.LBB2_5:
0x3d: {  	p0 =	sne.s32 s14, $0x3E00;
	v8 =	vld [tilespmem:s13+$0x1000];
	v6 =	vadd.s32 v7, v6;
	v7 =	vsel vm0, $0x1, v0;
	vm0 =	vgt.s32 v4, $0xFFFFFFFF  }
0x3e: {  	v9 =	vld [tilespmem:s13+$0x1010];
	v4 =	vadd.s32 v7, v6;
	v6 =	vsel vm0, $0x1, v0;
	vm0 =	vgt.s32 v2, $0xFFFFFFFF  }
0x3f: {  	v10 =	vld [tilespmem:s13+$0x1020];
	v2 =	vadd.s32 v6, v4;
	v6 =	vsel vm0, $0x1, v0;
	vm0 =	vgt.s32 v1, $0xFFFFFFFF  }
.Ltmp2:
0x40: {  	v4 =	vld [tilespmem:s13+$0x1030];
	v1 =	vadd.s32 v6, v2;
	v6 =	vsel vm0, $0x1, v0;
	vm0 =	vgt.s32 v3, $0xFFFFFFFF;
	(pc) =	sbr.rel @p0 .LBB2_5-.Ltmp2, $4  }
0x41: {  	v2 =	vld [tilespmem:s13+$0x1040];
	v3 =	vadd.s32 v6, v1;
	v6 =	vsel vm0, $0x1, v0;
	vm0 =	vgt.s32 v5, $0xFFFFFFFF  }
0x42: {  	vm1 =	vgt.s32 v8, $0xFFFFFFFF;
	v1 =	vld [tilespmem:s13+$0x1050];
	v5 =	vadd.s32 v6, v3;
	v6 =	vsel vm0, $0x1, v0  }
0x43: {  	v7 =	vsel vm1, $0x1, v0;
	vm0 =	vgt.s32 v9, $0xFFFFFFFF;
	v3 =	vld [tilespmem:s13+$0x1060];
	v5 =	vadd.s32 v6, v5  }
0x44: {  	v6 =	vadd.s32 v7, v5;
	v7 =	vsel vm0, $0x1, v0;
	vm0 =	vgt.s32 v10, $0xFFFFFFFF;
	v5 =	vld [tilespmem:s13+$0x1070];
	s13 =	sshra.s32 s14, $0x2;
	s14 =	sadd.s32 $0x200, s14  }
0x45: {  	v8 =	vld [tilespmem:s13+$0x1000];
	v6 =	vadd.s32 v7, v6;
	v52 =	vsel vm0, $0x1, v0;
	vm4 =	vgt.s32 v4, $0xFFFFFFFF  }
0x46: {  	v53 =	vld [tilespmem:s13+$0x1010];
	v6 =	vadd.s32 v52, v6;
	v54 =	vsel vm4, $0x1, v0;
	vm5 =	vgt.s32 v2, $0xFFFFFFFF  }
0x47: {  	v2 =	vld [tilespmem:s13+$0x1020];
	v6 =	vadd.s32 v54, v6;
	v55 =	vsel vm5, $0x1, v0;
	vm6 =	vgt.s32 v1, $0xFFFFFFFF  }
0x48: {  	v1 =	vld [tilespmem:s13+$0x1030];
	v6 =	vadd.s32 v55, v6;
	v56 =	vsel vm6, $0x1, v0;
	vm7 =	vgt.s32 v3, $0xFFFFFFFF  }
0x49: {  	v3 =	vld [tilespmem:s13+$0x1040];
	v6 =	vadd.s32 v56, v6;
	v57 =	vsel vm7, $0x1, v0;
	vm8 =	vgt.s32 v5, $0xFFFFFFFF  }
0x4a: {  	v58 =	vld [tilespmem:s13+$0x1050];
	vm1 =	vgt.s32 v8, $0xFFFFFFFF;
	v6 =	vadd.s32 v57, v6;
	v59 =	vsel vm8, $0x1, v0  }
0x4b: {  	v60 =	vld [tilespmem:s13+$0x1060];
	vm9 =	vgt.s32 v53, $0xFFFFFFFF;
	v8 =	vsel vm1, $0x1, v0;
	v6 =	vadd.s32 v59, v6  }
0x4c: {  	v61 =	vsel vm9, $0x1, v0;
	vm10 =	vgt.s32 v2, $0xFFFFFFFF;
	v2 =	vld [tilespmem:s13+$0x1070];
	v6 =	vadd.s32 v8, v6  }
0x4d: {  	v62 =	vsel vm10, $0x1, v0;
	vm11 =	vgt.s32 v1, $0xFFFFFFFF;
	v6 =	vadd.s32 v61, v6  }
0x4e: {  	v63 =	vsel vm11, $0x1, v0;
	vm12 =	vgt.s32 v3, $0xFFFFFFFF;
	v1 =	vadd.s32 v62, v6  }
0x4f: {  	vm13 =	vgt.s32 v58, $0xFFFFFFFF;
	v3 =	vsel vm12, $0x1, v0;
	v1 =	vadd.s32 v63, v1  }
0x50: {  	vm14 =	vgt.s32 v60, $0xFFFFFFFF;
	v1 =	vadd.s32 v3, v1;
	v3 =	vsel vm13, $0x1, v0  }
0x51: {  	vm15 =	vgt.s32 v2, $0xFFFFFFFF;
	v1 =	vadd.s32 v3, v1;
	v3 =	vsel vm14, $0x1, v0  }
0x52: {  	v2 =	vsel vm15, $0x1, v0;
	v1 =	vadd.s32 v3, v1  }
0x53: {  	v1 =	vadd.s32 v2, v1  }
0x54: {  	(v2sf) =	vpush v1, $0x0  }
0x55: {  	(v2sf) =	vpush v1, $0x1  }
0x56: {  	(v2sf) =	vpush v1, $0x2  }
0x57: {  	(v2sf) =	vpush v1, $0x3  }
0x58: {  	(v2sf) =	vpush v1, $0x4  }
0x59: {  	(v2sf) =	vpush v1, $0x5  }
0x5a: {  	(v2sf) =	vpush v1, $0x6  }
0x5b: {  	(v2sf) =	vpush v1, $0x7  }
0x5c: {  	(v2sf) =	vpush v1, $0x8  }
0x5d: {  	(v2sf) =	vpush v1, $0x9  }
0x5e: {  	(v2sf) =	vpush v1, $0xA  }
0x5f: {  	(v2sf) =	vpush v1, $0xB  }
0x60: {  	(v2sf) =	vpush v1, $0xC  }
0x61: {  	(v2sf) =	vpush v1, $0xD  }
0x62: {  	(v2sf) =	vpush v1, $0xE  }
0x63: {  	s12 =	spop (v2sf);
	(v2sf) =	vpush v1, $0xF  }
0x64: {  	s15 =	spop (v2sf)  }
0x65: {  	s12 =	sadd.s32 s15, s12;
	s16 =	spop (v2sf)  }
0x66: {  	s12 =	sadd.s32 s16, s12;
	s18 =	spop (v2sf)  }
0x67: {  	s12 =	sadd.s32 s18, s12;
	s19 =	spop (v2sf)  }
0x68: {  	s12 =	sadd.s32 s19, s12;
	s20 =	spop (v2sf)  }
0x69: {  	s12 =	sadd.s32 s20, s12;
	s21 =	spop (v2sf)  }
0x6a: {  	s12 =	sadd.s32 s21, s12;
	s22 =	spop (v2sf)  }
0x6b: {  	s12 =	sadd.s32 s22, s12;
	s23 =	spop (v2sf)  }
0x6c: {  	s12 =	sadd.s32 s23, s12;
	s24 =	spop (v2sf)  }
0x6d: {  	s12 =	sadd.s32 s24, s12;
	s25 =	spop (v2sf)  }
0x6e: {  	s12 =	sadd.s32 s25, s12;
	s26 =	spop (v2sf)  }
0x6f: {  	s12 =	sadd.s32 s26, s12;
	s28 =	spop (v2sf)  }
0x70: {  	s12 =	sadd.s32 s28, s12;
	s29 =	spop (v2sf)  }
0x71: {  	s12 =	sadd.s32 s29, s12;
	s30 =	spop (v2sf)  }
0x72: {  	s12 =	sadd.s32 s30, s12;
	s31 =	spop (v2sf)  }
0x73: {  	s12 =	sadd.s32 s31, s12  }
0x74: {  	p0 =	sgt.s32 s12, $0x7FF;
	s12 =	simm.s32 $0x0  }
0x75: {  	s13 =	simm.s32 $0x0;
	s12 =	simm.s32 @!p0 $0x80000000  }
.LBB2_7:
0x76: {  	v2 =	vld [tilespmem:s17+$0x1000]  }
0x77: {  	v4 =	vld [tilespmem:s17+$0x1010]  }
0x78: {  	s14 =	sshrl.u32 s9, s13;
	v6 =	vld [tilespmem:s17+$0x1020]  }
0x79: {  	v5 =	vld [tilespmem:s17+$0x1030];
	s14 =	sor.u32 s14, s12  }
0x7a: {  	v3 =	vld [tilespmem:s17+$0x1040];
	v1 =	vmov s14  }
0x7b: {  	vm0 =	vge.s32 v2, v1;
	v2 =	vld [tilespmem:s17+$0x1050]  }
0x7c: {  	v7 =	vimm.s32 $0x0;
	v8 =	vsel vm0, $0x1, v0;
	vm0 =	vge.s32 v4, v1;
	v4 =	vld [tilespmem:s17+$0x1060]  }
0x7d: {  	s15 =	simm.s32 $0x80;
	s16 =	simm.s32 $0x400;
	v7 =	vadd.s32 v8, v7;
	v8 =	vsel vm0, $0x1, v0;
	vm0 =	vge.s32 v6, v1;
	v6 =	vld [tilespmem:s17+$0x1070]  }
.LBB2_8:
0x7e: {  	p0 =	sne.s32 s16, $0x3E00;
	v9 =	vld [tilespmem:s15+$0x1000];
	v7 =	vadd.s32 v8, v7;
	v8 =	vsel vm0, $0x1, v0;
	vm0 =	vge.s32 v5, v1  }
0x7f: {  	v10 =	vld [tilespmem:s15+$0x1010];
	v5 =	vadd.s32 v8, v7;
	v7 =	vsel vm0, $0x1, v0;
	vm0 =	vge.s32 v3, v1  }
0x80: {  	v11 =	vld [tilespmem:s15+$0x1020];
	v3 =	vadd.s32 v7, v5;
	v7 =	vsel vm0, $0x1, v0;
	vm0 =	vge.s32 v2, v1  }
.Ltmp3:
0x81: {  	v5 =	vld [tilespmem:s15+$0x1030];
	v2 =	vadd.s32 v7, v3;
	v7 =	vsel vm0, $0x1, v0;
	vm0 =	vge.s32 v4, v1;
	(pc) =	sbr.rel @p0 .LBB2_8-.Ltmp3, $4  }
0x82: {  	v3 =	vld [tilespmem:s15+$0x1040];
	v4 =	vadd.s32 v7, v2;
	v7 =	vsel vm0, $0x1, v0;
	vm0 =	vge.s32 v6, v1  }
0x83: {  	vm1 =	vge.s32 v9, v1;
	v2 =	vld [tilespmem:s15+$0x1050];
	v6 =	vadd.s32 v7, v4;
	v7 =	vsel vm0, $0x1, v0  }
0x84: {  	v8 =	vsel vm1, $0x1, v0;
	vm0 =	vge.s32 v10, v1;
	v4 =	vld [tilespmem:s15+$0x1060];
	v6 =	vadd.s32 v7, v6  }
0x85: {  	v7 =	vadd.s32 v8, v6;
	v8 =	vsel vm0, $0x1, v0;
	vm0 =	vge.s32 v11, v1;
	v6 =	vld [tilespmem:s15+$0x1070];
	s15 =	sshra.s32 s16, $0x2;
	s16 =	sadd.s32 $0x200, s16  }
0x86: {  	v9 =	vld [tilespmem:s15+$0x1000];
	v7 =	vadd.s32 v8, v7;
	v49 =	vsel vm0, $0x1, v0;
	vm4 =	vge.s32 v5, v1  }
0x87: {  	v50 =	vld [tilespmem:s15+$0x1010];
	v7 =	vadd.s32 v49, v7;
	v51 =	vsel vm4, $0x1, v0;
	vm5 =	vge.s32 v3, v1  }
0x88: {  	v3 =	vld [tilespmem:s15+$0x1020];
	v7 =	vadd.s32 v51, v7;
	v52 =	vsel vm5, $0x1, v0;
	vm6 =	vge.s32 v2, v1  }
0x89: {  	v2 =	vld [tilespmem:s15+$0x1030];
	v7 =	vadd.s32 v52, v7;
	v53 =	vsel vm6, $0x1, v0;
	vm7 =	vge.s32 v4, v1  }
0x8a: {  	v54 =	vld [tilespmem:s15+$0x1040];
	v7 =	vadd.s32 v53, v7;
	v55 =	vsel vm7, $0x1, v0;
	vm8 =	vge.s32 v6, v1  }
0x8b: {  	v56 =	vld [tilespmem:s15+$0x1050];
	vm1 =	vge.s32 v9, v1;
	v7 =	vadd.s32 v55, v7;
	v57 =	vsel vm8, $0x1, v0  }
0x8c: {  	v58 =	vld [tilespmem:s15+$0x1060];
	vm9 =	vge.s32 v50, v1;
	v9 =	vsel vm1, $0x1, v0;
	v7 =	vadd.s32 v57, v7  }
0x8d: {  	v59 =	vsel vm9, $0x1, v0;
	vm10 =	vge.s32 v3, v1;
	v3 =	vld [tilespmem:s15+$0x1070];
	v7 =	vadd.s32 v9, v7  }
0x8e: {  	v60 =	vsel vm10, $0x1, v0;
	vm11 =	vge.s32 v2, v1;
	v7 =	vadd.s32 v59, v7  }
0x8f: {  	vm12 =	vge.s32 v54, v1;
	v61 =	vsel vm11, $0x1, v0;
	v2 =	vadd.s32 v60, v7  }
0x90: {  	vm13 =	vge.s32 v56, v1;
	v4 =	vsel vm12, $0x1, v0;
	v2 =	vadd.s32 v61, v2  }
0x91: {  	vm14 =	vge.s32 v58, v1;
	v62 =	vsel vm13, $0x1, v0;
	v2 =	vadd.s32 v4, v2  }
0x92: {  	v63 =	vsel vm14, $0x1, v0;
	vm15 =	vge.s32 v3, v1;
	v2 =	vadd.s32 v62, v2  }
0x93: {  	v1 =	vadd.s32 v63, v2;
	v2 =	vsel vm15, $0x1, v0  }
0x94: {  	v1 =	vadd.s32 v2, v1  }
0x95: {  	(v2sf) =	vpush v1, $0x0  }
0x96: {  	(v2sf) =	vpush v1, $0x1  }
0x97: {  	(v2sf) =	vpush v1, $0x2  }
0x98: {  	(v2sf) =	vpush v1, $0x3  }
0x99: {  	(v2sf) =	vpush v1, $0x4  }
0x9a: {  	(v2sf) =	vpush v1, $0x5  }
0x9b: {  	(v2sf) =	vpush v1, $0x6  }
0x9c: {  	(v2sf) =	vpush v1, $0x7  }
0x9d: {  	(v2sf) =	vpush v1, $0x8  }
0x9e: {  	(v2sf) =	vpush v1, $0x9  }
0x9f: {  	(v2sf) =	vpush v1, $0xA  }
0xa0: {  	(v2sf) =	vpush v1, $0xB  }
0xa1: {  	(v2sf) =	vpush v1, $0xC  }
0xa2: {  	(v2sf) =	vpush v1, $0xD  }
0xa3: {  	(v2sf) =	vpush v1, $0xE  }
0xa4: {  	s30 =	spop (v2sf);
	(v2sf) =	vpush v1, $0xF  }
0xa5: {  	s16 =	spop (v2sf)  }
0xa6: {  	s15 =	sadd.s32 s16, s30;
	s31 =	spop (v2sf)  }
0xa7: {  	s15 =	sadd.s32 s31, s15;
	s18 =	spop (v2sf)  }
0xa8: {  	s15 =	sadd.s32 s18, s15;
	s19 =	spop (v2sf)  }
0xa9: {  	s15 =	sadd.s32 s19, s15;
	s20 =	spop (v2sf)  }
0xaa: {  	s15 =	sadd.s32 s20, s15;
	s21 =	spop (v2sf)  }
0xab: {  	s15 =	sadd.s32 s21, s15;
	s22 =	spop (v2sf)  }
0xac: {  	s15 =	sadd.s32 s22, s15;
	s23 =	spop (v2sf)  }
0xad: {  	s15 =	sadd.s32 s23, s15;
	s24 =	spop (v2sf)  }
0xae: {  	s15 =	sadd.s32 s24, s15;
	s25 =	spop (v2sf)  }
0xaf: {  	s15 =	sadd.s32 s25, s15;
	s26 =	spop (v2sf)  }
0xb0: {  	s13 =	sadd.s32 $0x1, s13;
	s15 =	sadd.s32 s26, s15;
	s28 =	spop (v2sf)  }
0xb1: {  	p1 =	sne.s32 s13, $0x1F;
	s15 =	sadd.s32 s28, s15;
	s29 =	spop (v2sf)  }
.Ltmp4:
0xb2: {  	s15 =	sadd.s32 s29, s15;
	s30 =	spop (v2sf);
	(pc) =	sbr.rel @p1 .LBB2_7-.Ltmp4, $4  }
0xb3: {  	s15 =	sadd.s32 s30, s15;
	s31 =	spop (v2sf)  }
0xb4: {  	s15 =	sadd.s32 s31, s15  }
0xb5: {  	p0 =	sgt.s32 s15, $0x7FF  }
0xb6: {  	s12 =	smov.u32 @p0 s14  }
0xb7: {  	s13 =	sxor.u32 $0x7FFFFFFF, s12;
	p0 =	slt.s32 s12, $0x0  }
0xb8: {  	s11 =	sadd.s32 $0x1, s11;
	s12 =	smov.u32 @p0 s13  }
0xb9: {  	p0 =	sne.s32 s11, s5;
	v1 =	vmov s12  }
.Ltmp5:
0xba: {  	[tilespmem:$0x2000] =	vst v1;
	(pc) =	sbr.rel @p0 .LBB2_2-.Ltmp5, $4  }
0xbb: {  	[hbm4b:s3+s2] =	stream.linear.scatter [tilespmem:s10], [sflag:$0x1], $0x80, $0x38;
	[tilespmem:$0x2080] =	vst v63  }
0xbc: {  	_ =	swait.ge [sflag:s8], $0x80  }
0xbd: {  	[sflag:s8] =	ssyncset.done $0x0  }
0xbe: {  	[sflag:s8] =	ssyncadd.s32 $0xFFFFFF80  }
.LBB2_11:
0xbf: {  	_ =	sfence.sel $0x180000  }
0xc0: {  	[bflag:$0x0] =	sbarrier.arrive $0xFFFF  }
0xc1: {  	p0 =	sne.s32 s1, $0x0;
	_ =	strace $0x90000047  }
0xc2: {  	s0 =	sadd.s32 @!p0 $0x100000, s0;
	[bflag:$0x2] =	sbarrier.arrive $0xFFFF  }
0xc3: {  	[sflag:s0] =	ssyncadd.tile.s32 @!p0 $0x1;
	_ =	shalt  }
.Lfunc_end2:
_tile_overlayer_lowered:
.L_overlay_start_2:
0xc4: {  	(tag) =	ssettag $0x2  }
0xc5: {  	s0 =	rddreg [dreg:$0x0];
	s2 =	stileid.u32  }
0xc6: {  	s1 =	rddreg [dreg:$0x1];
	p0 =	sne.s32 s2, $0x0  }
0xc7: {  	s3 =	rddreg [dreg:$0x2];
	[bflag:$0x3] =	sbarrier.arrive $0xFFFF;
	s2 =	simm.s32 @!p0 $0x1C01  }
0xc8: {  	[timem:s3], [sflag:s2] =	dma.local @!p0 [hbm:s0], s1  }
0xc9: {  	s0 =	simm.s32 @!p0 $0x1  }
0xca: {  	_ =	swait.ge @!p0 [sflag:s0], s1  }
0xcb: {  	s1 =	ssub.s32 @!p0 $0x0, s1;
	[sflag:s0] =	ssyncset.done @!p0 $0x0  }
0xcc: {  	[sflag:s0] =	ssyncadd.s32 @!p0 s1  }
0xcd: {  	[bflag:$0x3] =	sbarrier.arrive $0xFFFF  }
0xce: {  	_ =	shalt  }

</sc_bundles>
